<compile_context>
chip_gen: v7x
topology: tpu7x:2x2x1
jax: 0.10.2.dev20260603
libtpu: 0.0.44.dev20260713+nightly
codegen_flags: <defaults>
</compile_context>

<pallas_src>
import jax
import jax.numpy as jnp
from jax import lax
from jax.experimental import pallas as pl
from jax.experimental.pallas import tpu as pltpu
from jax.experimental.pallas import tpu_sc as plsc

BATCH = 4
SEQ = 2048
DIM = 64
VOCAB = 1000000
NUM_CORES = 2
NUM_SUBCORES = 16
NUM_WORKERS = NUM_CORES * NUM_SUBCORES
N = BATCH * SEQ
PER_W = N // NUM_WORKERS
GROUP = 16
N_GROUPS = PER_W // GROUP
NBUF = 8
LANES = 16


def _emb_body(x_hbm, tt_hbm, pe_hbm, out_hbm, idx_smem, idx_v, pe_v, blk, g_v, sems, pe_sem):
    wid = lax.axis_index("s") * NUM_CORES + lax.axis_index("c")
    base = wid * PER_W
    pe_base = base % SEQ

    pltpu.sync_copy(x_hbm.at[pl.ds(base, PER_W)], idx_v)
    pe_cp = pltpu.async_copy(pe_hbm.at[pl.ds(pe_base, PER_W)], pe_v, pe_sem)

    def spill(g, carry):
        vt = idx_v[pl.ds(g * GROUP, GROUP)]
        for j in range(GROUP):
            idx_smem[g * GROUP + j] = vt[j]
        return carry

    spill(0, 0)

    dvec = lax.iota(jnp.int32, LANES)

    def fire(t, slot):
        i = idx_smem[t]
        off = pl.multiple_of((i >> 7) * 128, 128)
        pltpu.async_copy(
            tt_hbm.at[:, pl.ds(off, 128)],
            blk.at[pl.ds(slot * DIM, DIM)],
            sems.at[slot],
        )

    def extract(t, slot):
        i = idx_smem[t]
        pltpu.make_async_copy(
            tt_hbm.at[:, pl.ds(0, 128)],
            blk.at[pl.ds(slot * DIM, DIM)],
            sems.at[slot],
        ).wait()
        cvec = jnp.zeros((LANES,), jnp.int32) + (i & 127)
        for k in range(DIM // LANES):
            vals = plsc.load_gather(blk, [slot * DIM + dvec + k * LANES, cvec])
            sl = pl.ds(k * LANES, LANES)
            g_v[t & (PER_W // 2 - 1), sl] = vals + pe_v[t, sl]

    for s in range(NBUF):
        fire(s, s)

    lax.fori_loop(1, N_GROUPS, spill, 0)
    pe_cp.wait()

    def steady(b, carry):
        t0 = b * NBUF
        for s in range(NBUF):
            extract(t0 + s, s)

            @pl.when(t0 + s < PER_W - NBUF)
            def _():
                fire(t0 + s + NBUF, s)

        @pl.when(b == PER_W // 2 // NBUF - 1)
        def _():
            pltpu.sync_copy(g_v, out_hbm.at[pl.ds(base, PER_W // 2)])

        return carry

    lax.fori_loop(0, PER_W // NBUF, steady, 0)
    pltpu.sync_copy(g_v, out_hbm.at[pl.ds(base + PER_W // 2, PER_W // 2)])


_emb_call = pl.kernel(
    _emb_body,
    out_type=jax.ShapeDtypeStruct((N, DIM), jnp.float32),
    mesh=plsc.VectorSubcoreMesh(
        core_axis_name="c",
        subcore_axis_name="s",
        num_cores=NUM_CORES,
        num_subcores=NUM_SUBCORES,
    ),
    compiler_params=pltpu.CompilerParams(needs_layout_passes=False),
    scratch_types=[
        pltpu.SMEM((PER_W,), jnp.int32),
        pltpu.VMEM((PER_W,), jnp.int32),
        pltpu.VMEM((PER_W, DIM), jnp.float32),
        pltpu.VMEM((NBUF * DIM, 128), jnp.float32),
        pltpu.VMEM((PER_W // 2, DIM), jnp.float32),
        pltpu.SemaphoreType.DMA((NBUF,)),
        pltpu.SemaphoreType.DMA,
    ],
)


@jax.jit
def kernel(x, table, pe):
    out = _emb_call(x.reshape(N), table.T, pe)
    return out.reshape(BATCH, SEQ, DIM)

# --- scband reference (transcript-rebuilt; emitter-appended) ---
"""Pipeline reference for scband-embedding-layer-62964220559480 (READ-ONLY COPY).

The authoritative reference and input builder live on the scoring server;
editing this copy changes nothing except your own understanding.
"""

import jax, jax.numpy as jnp
import numpy as np

VOCABULARY_SIZE = 1000000
EMBEDDING_DIM = 64
CONTEXT_SIZE = 2048
PE_N = 10000.0
BATCH = 4
SEQ = 2048


def make_pe():
    positions = np.arange(CONTEXT_SIZE, dtype=np.float32)[:, None]
    div_term = np.exp(np.arange(0, EMBEDDING_DIM, 2, dtype=np.float32) * -(np.log(PE_N) / EMBEDDING_DIM))[None, :]
    pe = np.zeros((CONTEXT_SIZE, EMBEDDING_DIM), dtype=np.float32)
    pe[:, 0::2] = np.sin(positions * div_term)
    pe[:, 1::2] = np.cos(positions * div_term)
    return jnp.asarray(pe)


def setup_inputs(seed: int = 0):
    key = jax.random.key(seed)
    k1, k2 = jax.random.split(key)
    x = jax.random.randint(k1, (BATCH, SEQ), 0, VOCABULARY_SIZE, dtype=jnp.int32)
    table = jax.random.normal(k2, (VOCABULARY_SIZE, EMBEDDING_DIM), dtype=jnp.float32) * 0.02
    pe = make_pe()
    return {"x": x, "table": table, "pe": pe}


def reference(x, table, pe):
    # TokenEmbeddings: embedding gather
    token_emb = jnp.take(table, x, axis=0)  # [B, S, D]
    # PositionalEmbedding: add sinusoidal buffer sliced to seq length
    input_emb = token_emb + pe[: x.shape[1], :]
    return input_emb

if __name__ == "__main__":
    import jax
    _d = setup_inputs()
    print(jax.jit(kernel)(*tuple(_d.values())))

</pallas_src>

<mosaic_0001>
#map = affine_map<(d0, d1) -> (0)>
#map1 = affine_map<(d0, d1) -> (0, 0)>
module attributes {stable_mosaic.version = 14 : i64} {
  func.func @_emb_body(%arg0: i32, %arg1: i32, %arg2: memref<8192xi32, #tpu.memory_space<hbm>>, %arg3: memref<64x1000000xf32, #tpu.memory_space<hbm>>, %arg4: memref<2048x64xf32, #tpu.memory_space<hbm>>, %arg5: memref<8192x64xf32, #tpu.memory_space<hbm>>, %arg6: memref<256xi32, #tpu.memory_space<smem>>, %arg7: memref<256xi32, #tpu.memory_space<vmem>>, %arg8: memref<256x64xf32, #tpu.memory_space<vmem>>, %arg9: memref<512x128xf32, #tpu.memory_space<vmem>>, %arg10: memref<128x64xf32, #tpu.memory_space<vmem>>, %arg11: memref<8x!tpu.dma_semaphore, #tpu.memory_space<semaphore_mem>>, %arg12: memref<!tpu.dma_semaphore, #tpu.memory_space<semaphore_mem>>) attributes {dimension_semantics = [#tpu.dimension_semantics<core_parallel>, #tpu.dimension_semantics<subcore_parallel>], iteration_bounds = array<i64: 2, 16>, scalar_prefetch = 0 : i64, scratch_operands = 7 : i64, tpu.core_type = #tpu.core_type<sc_vector_subcore>, window_params = [{transform_indices = #map}, {transform_indices = #map1}, {transform_indices = #map1}, {transform_indices = #map1}]} {
    %mul3A = arith.constant 2 : i32
    %mul3A_0 = arith.muli %arg1, %mul3A : i32
    %add3A = arith.addi %mul3A_0, %arg0 : i32
    %mul3A_1 = arith.constant 256 : i32
    %mul3A_2 = arith.muli %add3A, %mul3A_1 : i32
    %jit3A = arith.constant 2048 : i32
    %eq3A = arith.constant 0 : i32
    %eq3A_3 = arith.cmpi eq, %jit3A, %eq3A : i32
    %jit3A_4 = arith.constant 1 : i32
    %select_n3A = arith.select %eq3A_3, %jit3A_4, %jit3A : i32
    %rem3A = arith.remsi %mul3A_2, %select_n3A : i32
    %ne3A = arith.constant 0 : i32
    %ne3A_5 = arith.cmpi ne, %rem3A, %ne3A : i32
    %lt3A = arith.constant 0 : i32
    %lt3A_6 = arith.cmpi slt, %rem3A, %lt3A : i32
    %lt3A_7 = arith.constant 0 : i32
    %lt3A_8 = arith.cmpi slt, %select_n3A, %lt3A_7 : i32
    %ne3A_9 = arith.xori %lt3A_6, %lt3A_8 : i1
    %and3A = arith.andi %ne3A_9, %ne3A_5 : i1
    %add3A_10 = arith.addi %rem3A, %select_n3A : i32
    %select_n3A_11 = arith.select %and3A, %add3A_10, %rem3A : i32
    "tpu.region"() ({
      %run_scoped3A = tpu.sem_alloc : memref<!tpu.dma_semaphore, #tpu.memory_space<semaphore_mem>>
      %dma_start3A_275 = tpu.memref_slice %arg2[%mul3A_2] : memref<8192xi32, #tpu.memory_space<hbm>> -> memref<256xi32, #tpu.memory_space<hbm>>
      %dma_start3A_276 = tpu.memref_slice %arg2[%mul3A_2] : memref<8192xi32, #tpu.memory_space<hbm>> -> memref<256xi32, #tpu.memory_space<hbm>>
      tpu.enqueue_dma source(%dma_start3A_276 : memref<256xi32, #tpu.memory_space<hbm>>) target(%arg7 : memref<256xi32, #tpu.memory_space<vmem>>) target_semaphore(%run_scoped3A : memref<!tpu.dma_semaphore, #tpu.memory_space<semaphore_mem>>)
      %dma_wait3A_277 = tpu.memref_slice %arg2[%mul3A_2] : memref<8192xi32, #tpu.memory_space<hbm>> -> memref<256xi32, #tpu.memory_space<hbm>>
      %dma_wait3A_278 = tpu.memref_slice %arg2[%mul3A_2] : memref<8192xi32, #tpu.memory_space<hbm>> -> memref<256xi32, #tpu.memory_space<hbm>>
      tpu.wait_dma2 semaphore(%run_scoped3A : memref<!tpu.dma_semaphore, #tpu.memory_space<semaphore_mem>>) src(%dma_wait3A_278 : memref<256xi32, #tpu.memory_space<hbm>>) dst(%arg7 : memref<256xi32, #tpu.memory_space<vmem>>)
      tpu.yield
    }) : () -> ()
    %dma_start3A = arith.constant 0 : i32
    %dma_start3A_12 = tpu.memref_slice %arg4[%select_n3A_11, %dma_start3A] : memref<2048x64xf32, #tpu.memory_space<hbm>> -> memref<256x64xf32, #tpu.memory_space<hbm>>
    %dma_start3A_13 = arith.constant 0 : i32
    %dma_start3A_14 = tpu.memref_slice %arg4[%select_n3A_11, %dma_start3A_13] : memref<2048x64xf32, #tpu.memory_space<hbm>> -> memref<256x64xf32, #tpu.memory_space<hbm>>
    tpu.enqueue_dma source(%dma_start3A_14 : memref<256x64xf32, #tpu.memory_space<hbm>>) target(%arg8 : memref<256x64xf32, #tpu.memory_space<vmem>>) target_semaphore(%arg12 : memref<!tpu.dma_semaphore, #tpu.memory_space<semaphore_mem>>)
    %get3A = arith.constant 0 : index
    %get3A_15 = tpu.vector_load %arg7[%get3A] {strides = array<i32>} : memref<256xi32, #tpu.memory_space<vmem>>, vector<16xi32>,
    %slice3A = vector.extract_strided_slice %get3A_15 {offsets = [0], sizes = [1], strides = [1]} : vector<16xi32> to vector<1xi32>
    %squeeze3A = vector.extract %slice3A[0] : i32 from vector<1xi32>
    %swap3A = arith.constant 0 : i32
    %swap3A_16 = arith.index_cast %swap3A : i32 to index
    %swap3A_17 = memref.load %arg6[%swap3A_16] : memref<256xi32, #tpu.memory_space<smem>>
    memref.store %squeeze3A, %arg6[%swap3A_16] : memref<256xi32, #tpu.memory_space<smem>>
    %slice3A_18 = vector.extract_strided_slice %get3A_15 {offsets = [1], sizes = [1], strides = [1]} : vector<16xi32> to vector<1xi32>
    %squeeze3A_19 = vector.extract %slice3A_18[0] : i32 from vector<1xi32>
    %swap3A_20 = arith.constant 1 : i32
    %swap3A_21 = arith.index_cast %swap3A_20 : i32 to index
    %swap3A_22 = memref.load %arg6[%swap3A_21] : memref<256xi32, #tpu.memory_space<smem>>
    memref.store %squeeze3A_19, %arg6[%swap3A_21] : memref<256xi32, #tpu.memory_space<smem>>
    %slice3A_23 = vector.extract_strided_slice %get3A_15 {offsets = [2], sizes = [1], strides = [1]} : vector<16xi32> to vector<1xi32>
    %squeeze3A_24 = vector.extract %slice3A_23[0] : i32 from vector<1xi32>
    %swap3A_25 = arith.constant 2 : i32
    %swap3A_26 = arith.index_cast %swap3A_25 : i32 to index
    %swap3A_27 = memref.load %arg6[%swap3A_26] : memref<256xi32, #tpu.memory_space<smem>>
    memref.store %squeeze3A_24, %arg6[%swap3A_26] : memref<256xi32, #tpu.memory_space<smem>>
    %slice3A_28 = vector.extract_strided_slice %get3A_15 {offsets = [3], sizes = [1], strides = [1]} : vector<16xi32> to vector<1xi32>
    %squeeze3A_29 = vector.extract %slice3A_28[0] : i32 from vector<1xi32>
    %swap3A_30 = arith.constant 3 : i32
    %swap3A_31 = arith.index_cast %swap3A_30 : i32 to index
    %swap3A_32 = memref.load %arg6[%swap3A_31] : memref<256xi32, #tpu.memory_space<smem>>
    memref.store %squeeze3A_29, %arg6[%swap3A_31] : memref<256xi32, #tpu.memory_space<smem>>
    %slice3A_33 = vector.extract_strided_slice %get3A_15 {offsets = [4], sizes = [1], strides = [1]} : vector<16xi32> to vector<1xi32>
    %squeeze3A_34 = vector.extract %slice3A_33[0] : i32 from vector<1xi32>
    %swap3A_35 = arith.constant 4 : i32
    %swap3A_36 = arith.index_cast %swap3A_35 : i32 to index
    %swap3A_37 = memref.load %arg6[%swap3A_36] : memref<256xi32, #tpu.memory_space<smem>>
    memref.store %squeeze3A_34, %arg6[%swap3A_36] : memref<256xi32, #tpu.memory_space<smem>>
    %slice3A_38 = vector.extract_strided_slice %get3A_15 {offsets = [5], sizes = [1], strides = [1]} : vector<16xi32> to vector<1xi32>
    %squeeze3A_39 = vector.extract %slice3A_38[0] : i32 from vector<1xi32>
    %swap3A_40 = arith.constant 5 : i32
    %swap3A_41 = arith.index_cast %swap3A_40 : i32 to index
    %swap3A_42 = memref.load %arg6[%swap3A_41] : memref<256xi32, #tpu.memory_space<smem>>
    memref.store %squeeze3A_39, %arg6[%swap3A_41] : memref<256xi32, #tpu.memory_space<smem>>
    %slice3A_43 = vector.extract_strided_slice %get3A_15 {offsets = [6], sizes = [1], strides = [1]} : vector<16xi32> to vector<1xi32>
    %squeeze3A_44 = vector.extract %slice3A_43[0] : i32 from vector<1xi32>
    %swap3A_45 = arith.constant 6 : i32
    %swap3A_46 = arith.index_cast %swap3A_45 : i32 to index
    %swap3A_47 = memref.load %arg6[%swap3A_46] : memref<256xi32, #tpu.memory_space<smem>>
    memref.store %squeeze3A_44, %arg6[%swap3A_46] : memref<256xi32, #tpu.memory_space<smem>>
    %slice3A_48 = vector.extract_strided_slice %get3A_15 {offsets = [7], sizes = [1], strides = [1]} : vector<16xi32> to vector<1xi32>
    %squeeze3A_49 = vector.extract %slice3A_48[0] : i32 from vector<1xi32>
    %swap3A_50 = arith.constant 7 : i32
    %swap3A_51 = arith.index_cast %swap3A_50 : i32 to index
    %swap3A_52 = memref.load %arg6[%swap3A_51] : memref<256xi32, #tpu.memory_space<smem>>
    memref.store %squeeze3A_49, %arg6[%swap3A_51] : memref<256xi32, #tpu.memory_space<smem>>
    %slice3A_53 = vector.extract_strided_slice %get3A_15 {offsets = [8], sizes = [1], strides = [1]} : vector<16xi32> to vector<1xi32>
    %squeeze3A_54 = vector.extract %slice3A_53[0] : i32 from vector<1xi32>
    %swap3A_55 = arith.constant 8 : i32
    %swap3A_56 = arith.index_cast %swap3A_55 : i32 to index
    %swap3A_57 = memref.load %arg6[%swap3A_56] : memref<256xi32, #tpu.memory_space<smem>>
    memref.store %squeeze3A_54, %arg6[%swap3A_56] : memref<256xi32, #tpu.memory_space<smem>>
    %slice3A_58 = vector.extract_strided_slice %get3A_15 {offsets = [9], sizes = [1], strides = [1]} : vector<16xi32> to vector<1xi32>
    %squeeze3A_59 = vector.extract %slice3A_58[0] : i32 from vector<1xi32>
    %swap3A_60 = arith.constant 9 : i32
    %swap3A_61 = arith.index_cast %swap3A_60 : i32 to index
    %swap3A_62 = memref.load %arg6[%swap3A_61] : memref<256xi32, #tpu.memory_space<smem>>
    memref.store %squeeze3A_59, %arg6[%swap3A_61] : memref<256xi32, #tpu.memory_space<smem>>
    %slice3A_63 = vector.extract_strided_slice %get3A_15 {offsets = [10], sizes = [1], strides = [1]} : vector<16xi32> to vector<1xi32>
    %squeeze3A_64 = vector.extract %slice3A_63[0] : i32 from vector<1xi32>
    %swap3A_65 = arith.constant 10 : i32
    %swap3A_66 = arith.index_cast %swap3A_65 : i32 to index
    %swap3A_67 = memref.load %arg6[%swap3A_66] : memref<256xi32, #tpu.memory_space<smem>>
    memref.store %squeeze3A_64, %arg6[%swap3A_66] : memref<256xi32, #tpu.memory_space<smem>>
    %slice3A_68 = vector.extract_strided_slice %get3A_15 {offsets = [11], sizes = [1], strides = [1]} : vector<16xi32> to vector<1xi32>
    %squeeze3A_69 = vector.extract %slice3A_68[0] : i32 from vector<1xi32>
    %swap3A_70 = arith.constant 11 : i32
    %swap3A_71 = arith.index_cast %swap3A_70 : i32 to index
    %swap3A_72 = memref.load %arg6[%swap3A_71] : memref<256xi32, #tpu.memory_space<smem>>
    memref.store %squeeze3A_69, %arg6[%swap3A_71] : memref<256xi32, #tpu.memory_space<smem>>
    %slice3A_73 = vector.extract_strided_slice %get3A_15 {offsets = [12], sizes = [1], strides = [1]} : vector<16xi32> to vector<1xi32>
    %squeeze3A_74 = vector.extract %slice3A_73[0] : i32 from vector<1xi32>
    %swap3A_75 = arith.constant 12 : i32
    %swap3A_76 = arith.index_cast %swap3A_75 : i32 to index
    %swap3A_77 = memref.load %arg6[%swap3A_76] : memref<256xi32, #tpu.memory_space<smem>>
    memref.store %squeeze3A_74, %arg6[%swap3A_76] : memref<256xi32, #tpu.memory_space<smem>>
    %slice3A_78 = vector.extract_strided_slice %get3A_15 {offsets = [13], sizes = [1], strides = [1]} : vector<16xi32> to vector<1xi32>
    %squeeze3A_79 = vector.extract %slice3A_78[0] : i32 from vector<1xi32>
    %swap3A_80 = arith.constant 13 : i32
    %swap3A_81 = arith.index_cast %swap3A_80 : i32 to index
    %swap3A_82 = memref.load %arg6[%swap3A_81] : memref<256xi32, #tpu.memory_space<smem>>
    memref.store %squeeze3A_79, %arg6[%swap3A_81] : memref<256xi32, #tpu.memory_space<smem>>
    %slice3A_83 = vector.extract_strided_slice %get3A_15 {offsets = [14], sizes = [1], strides = [1]} : vector<16xi32> to vector<1xi32>
    %squeeze3A_84 = vector.extract %slice3A_83[0] : i32 from vector<1xi32>
    %swap3A_85 = arith.constant 14 : i32
    %swap3A_86 = arith.index_cast %swap3A_85 : i32 to index
    %swap3A_87 = memref.load %arg6[%swap3A_86] : memref<256xi32, #tpu.memory_space<smem>>
    memref.store %squeeze3A_84, %arg6[%swap3A_86] : memref<256xi32, #tpu.memory_space<smem>>
    %slice3A_88 = vector.extract_strided_slice %get3A_15 {offsets = [15], sizes = [1], strides = [1]} : vector<16xi32> to vector<1xi32>
    %squeeze3A_89 = vector.extract %slice3A_88[0] : i32 from vector<1xi32>
    %swap3A_90 = arith.constant 15 : i32
    %swap3A_91 = arith.index_cast %swap3A_90 : i32 to index
    %swap3A_92 = memref.load %arg6[%swap3A_91] : memref<256xi32, #tpu.memory_space<smem>>
    memref.store %squeeze3A_89, %arg6[%swap3A_91] : memref<256xi32, #tpu.memory_space<smem>>
    %iota3A = tpu.iota {dimensions = array<i32: 0>} : vector<16xi32>
    %get3A_93 = arith.constant 0 : i32
    %get3A_94 = arith.index_cast %get3A_93 : i32 to index
    %get3A_95 = memref.load %arg6[%get3A_94] : memref<256xi32, #tpu.memory_space<smem>>
    %shift_right_arithmetic3A = arith.constant 7 : i32
    %shift_right_arithmetic3A_96 = arith.shrsi %get3A_95, %shift_right_arithmetic3A : i32
    %mul3A_97 = arith.constant 128 : i32
    %mul3A_98 = arith.muli %shift_right_arithmetic3A_96, %mul3A_97 : i32
    %multiple_of3A = tpu.assume_multiple %mul3A_98, 128 : i32
    %dma_start3A_99 = arith.constant 0 : i32
    %dma_start3A_100 = arith.constant 0 : i32
    %dma_start3A_101 = arith.constant 0 : i32
    %dma_start3A_102 = tpu.memref_slice %arg9[%dma_start3A_100, %dma_start3A_101] : memref<512x128xf32, #tpu.memory_space<vmem>> -> memref<64x128xf32, #tpu.memory_space<vmem>>
    %dma_start3A_103 = arith.constant 0 : i32
    %dma_start3A_104 = tpu.memref_slice %arg3[%dma_start3A_103, %multiple_of3A] : memref<64x1000000xf32, #tpu.memory_space<hbm>> -> memref<64x128xf32, #tpu.memory_space<hbm>>
    %dma_start3A_105 = tpu.memref_slice %arg11[%dma_start3A_99] : memref<8x!tpu.dma_semaphore, #tpu.memory_space<semaphore_mem>> -> memref<1x!tpu.dma_semaphore, #tpu.memory_space<semaphore_mem>>
    %dma_start3A_106 = tpu.memref_squeeze %dma_start3A_105 : memref<1x!tpu.dma_semaphore, #tpu.memory_space<semaphore_mem>> -> memref<!tpu.dma_semaphore, #tpu.memory_space<semaphore_mem>>
    %dma_start3A_107 = arith.constant 0 : i32
    %dma_start3A_108 = arith.constant 0 : i32
    %dma_start3A_109 = tpu.memref_slice %arg9[%dma_start3A_107, %dma_start3A_108] : memref<512x128xf32, #tpu.memory_space<vmem>> -> memref<64x128xf32, #tpu.memory_space<vmem>>
    %dma_start3A_110 = arith.constant 0 : i32
    %dma_start3A_111 = tpu.memref_slice %arg3[%dma_start3A_110, %multiple_of3A] : memref<64x1000000xf32, #tpu.memory_space<hbm>> -> memref<64x128xf32, #tpu.memory_space<hbm>>
    tpu.enqueue_dma source(%dma_start3A_111 : memref<64x128xf32, #tpu.memory_space<hbm>>) target(%dma_start3A_109 : memref<64x128xf32, #tpu.memory_space<vmem>>) target_semaphore(%dma_start3A_106 : memref<!tpu.dma_semaphore, #tpu.memory_space<semaphore_mem>>)
    %get3A_112 = arith.constant 1 : i32
    %get3A_113 = arith.index_cast %get3A_112 : i32 to index
    %get3A_114 = memref.load %arg6[%get3A_113] : memref<256xi32, #tpu.memory_space<smem>>
    %shift_right_arithmetic3A_115 = arith.constant 7 : i32
    %shift_right_arithmetic3A_116 = arith.shrsi %get3A_114, %shift_right_arithmetic3A_115 : i32
    %mul3A_117 = arith.constant 128 : i32
    %mul3A_118 = arith.muli %shift_right_arithmetic3A_116, %mul3A_117 : i32
    %multiple_of3A_119 = tpu.assume_multiple %mul3A_118, 128 : i32
    %dma_start3A_120 = arith.constant 1 : i32
    %dma_start3A_121 = arith.constant 64 : i32
    %dma_start3A_122 = arith.constant 0 : i32
    %dma_start3A_123 = tpu.memref_slice %arg9[%dma_start3A_121, %dma_start3A_122] : memref<512x128xf32, #tpu.memory_space<vmem>> -> memref<64x128xf32, #tpu.memory_space<vmem>>
    %dma_start3A_124 = arith.constant 0 : i32
    %dma_start3A_125 = tpu.memref_slice %arg3[%dma_start3A_124, %multiple_of3A_119] : memref<64x1000000xf32, #tpu.memory_space<hbm>> -> memref<64x128xf32, #tpu.memory_space<hbm>>
    %dma_start3A_126 = tpu.memref_slice %arg11[%dma_start3A_120] : memref<8x!tpu.dma_semaphore, #tpu.memory_space<semaphore_mem>> -> memref<1x!tpu.dma_semaphore, #tpu.memory_space<semaphore_mem>>
    %dma_start3A_127 = tpu.memref_squeeze %dma_start3A_126 : memref<1x!tpu.dma_semaphore, #tpu.memory_space<semaphore_mem>> -> memref<!tpu.dma_semaphore, #tpu.memory_space<semaphore_mem>>
    %dma_start3A_128 = arith.constant 64 : i32
    %dma_start3A_129 = arith.constant 0 : i32
    %dma_start3A_130 = tpu.memref_slice %arg9[%dma_start3A_128, %dma_start3A_129] : memref<512x128xf32, #tpu.memory_space<vmem>> -> memref<64x128xf32, #tpu.memory_space<vmem>>
    %dma_start3A_131 = arith.constant 0 : i32
    %dma_start3A_132 = tpu.memref_slice %arg3[%dma_start3A_131, %multiple_of3A_119] : memref<64x1000000xf32, #tpu.memory_space<hbm>> -> memref<64x128xf32, #tpu.memory_space<hbm>>
    tpu.enqueue_dma source(%dma_start3A_132 : memref<64x128xf32, #tpu.memory_space<hbm>>) target(%dma_start3A_130 : memref<64x128xf32, #tpu.memory_space<vmem>>) target_semaphore(%dma_start3A_127 : memref<!tpu.dma_semaphore, #tpu.memory_space<semaphore_mem>>)
    %get3A_133 = arith.constant 2 : i32
    %get3A_134 = arith.index_cast %get3A_133 : i32 to index
    %get3A_135 = memref.load %arg6[%get3A_134] : memref<256xi32, #tpu.memory_space<smem>>
    %shift_right_arithmetic3A_136 = arith.constant 7 : i32
    %shift_right_arithmetic3A_137 = arith.shrsi %get3A_135, %shift_right_arithmetic3A_136 : i32
    %mul3A_138 = arith.constant 128 : i32
    %mul3A_139 = arith.muli %shift_right_arithmetic3A_137, %mul3A_138 : i32
    %multiple_of3A_140 = tpu.assume_multiple %mul3A_139, 128 : i32
    %dma_start3A_141 = arith.constant 2 : i32
    %dma_start3A_142 = arith.constant 128 : i32
    %dma_start3A_143 = arith.constant 0 : i32
    %dma_start3A_144 = tpu.memref_slice %arg9[%dma_start3A_142, %dma_start3A_143] : memref<512x128xf32, #tpu.memory_space<vmem>> -> memref<64x128xf32, #tpu.memory_space<vmem>>
    %dma_start3A_145 = arith.constant 0 : i32
    %dma_start3A_146 = tpu.memref_slice %arg3[%dma_start3A_145, %multiple_of3A_140] : memref<64x1000000xf32, #tpu.memory_space<hbm>> -> memref<64x128xf32, #tpu.memory_space<hbm>>
    %dma_start3A_147 = tpu.memref_slice %arg11[%dma_start3A_141] : memref<8x!tpu.dma_semaphore, #tpu.memory_space<semaphore_mem>> -> memref<1x!tpu.dma_semaphore, #tpu.memory_space<semaphore_mem>>
    %dma_start3A_148 = tpu.memref_squeeze %dma_start3A_147 : memref<1x!tpu.dma_semaphore, #tpu.memory_space<semaphore_mem>> -> memref<!tpu.dma_semaphore, #tpu.memory_space<semaphore_mem>>
    %dma_start3A_149 = arith.constant 128 : i32
    %dma_start3A_150 = arith.constant 0 : i32
    %dma_start3A_151 = tpu.memref_slice %arg9[%dma_start3A_149, %dma_start3A_150] : memref<512x128xf32, #tpu.memory_space<vmem>> -> memref<64x128xf32, #tpu.memory_space<vmem>>
    %dma_start3A_152 = arith.constant 0 : i32
    %dma_start3A_153 = tpu.memref_slice %arg3[%dma_start3A_152, %multiple_of3A_140] : memref<64x1000000xf32, #tpu.memory_space<hbm>> -> memref<64x128xf32, #tpu.memory_space<hbm>>
    tpu.enqueue_dma source(%dma_start3A_153 : memref<64x128xf32, #tpu.memory_space<hbm>>) target(%dma_start3A_151 : memref<64x128xf32, #tpu.memory_space<vmem>>) target_semaphore(%dma_start3A_148 : memref<!tpu.dma_semaphore, #tpu.memory_space<semaphore_mem>>)
    %get3A_154 = arith.constant 3 : i32
    %get3A_155 = arith.index_cast %get3A_154 : i32 to index
    %get3A_156 = memref.load %arg6[%get3A_155] : memref<256xi32, #tpu.memory_space<smem>>
    %shift_right_arithmetic3A_157 = arith.constant 7 : i32
    %shift_right_arithmetic3A_158 = arith.shrsi %get3A_156, %shift_right_arithmetic3A_157 : i32
    %mul3A_159 = arith.constant 128 : i32
    %mul3A_160 = arith.muli %shift_right_arithmetic3A_158, %mul3A_159 : i32
    %multiple_of3A_161 = tpu.assume_multiple %mul3A_160, 128 : i32
    %dma_start3A_162 = arith.constant 3 : i32
    %dma_start3A_163 = arith.constant 192 : i32
    %dma_start3A_164 = arith.constant 0 : i32
    %dma_start3A_165 = tpu.memref_slice %arg9[%dma_start3A_163, %dma_start3A_164] : memref<512x128xf32, #tpu.memory_space<vmem>> -> memref<64x128xf32, #tpu.memory_space<vmem>>
    %dma_start3A_166 = arith.constant 0 : i32
    %dma_start3A_167 = tpu.memref_slice %arg3[%dma_start3A_166, %multiple_of3A_161] : memref<64x1000000xf32, #tpu.memory_space<hbm>> -> memref<64x128xf32, #tpu.memory_space<hbm>>
    %dma_start3A_168 = tpu.memref_slice %arg11[%dma_start3A_162] : memref<8x!tpu.dma_semaphore, #tpu.memory_space<semaphore_mem>> -> memref<1x!tpu.dma_semaphore, #tpu.memory_space<semaphore_mem>>
    %dma_start3A_169 = tpu.memref_squeeze %dma_start3A_168 : memref<1x!tpu.dma_semaphore, #tpu.memory_space<semaphore_mem>> -> memref<!tpu.dma_semaphore, #tpu.memory_space<semaphore_mem>>
    %dma_start3A_170 = arith.constant 192 : i32
    %dma_start3A_171 = arith.constant 0 : i32
    %dma_start3A_172 = tpu.memref_slice %arg9[%dma_start3A_170, %dma_start3A_171] : memref<512x128xf32, #tpu.memory_space<vmem>> -> memref<64x128xf32, #tpu.memory_space<vmem>>
    %dma_start3A_173 = arith.constant 0 : i32
    %dma_start3A_174 = tpu.memref_slice %arg3[%dma_start3A_173, %multiple_of3A_161] : memref<64x1000000xf32, #tpu.memory_space<hbm>> -> memref<64x128xf32, #tpu.memory_space<hbm>>
    tpu.enqueue_dma source(%dma_start3A_174 : memref<64x128xf32, #tpu.memory_space<hbm>>) target(%dma_start3A_172 : memref<64x128xf32, #tpu.memory_space<vmem>>) target_semaphore(%dma_start3A_169 : memref<!tpu.dma_semaphore, #tpu.memory_space<semaphore_mem>>)
    %get3A_175 = arith.constant 4 : i32
    %get3A_176 = arith.index_cast %get3A_175 : i32 to index
    %get3A_177 = memref.load %arg6[%get3A_176] : memref<256xi32, #tpu.memory_space<smem>>
    %shift_right_arithmetic3A_178 = arith.constant 7 : i32
    %shift_right_arithmetic3A_179 = arith.shrsi %get3A_177, %shift_right_arithmetic3A_178 : i32
    %mul3A_180 = arith.constant 128 : i32
    %mul3A_181 = arith.muli %shift_right_arithmetic3A_179, %mul3A_180 : i32
    %multiple_of3A_182 = tpu.assume_multiple %mul3A_181, 128 : i32
    %dma_start3A_183 = arith.constant 4 : i32
    %dma_start3A_184 = arith.constant 256 : i32
    %dma_start3A_185 = arith.constant 0 : i32
    %dma_start3A_186 = tpu.memref_slice %arg9[%dma_start3A_184, %dma_start3A_185] : memref<512x128xf32, #tpu.memory_space<vmem>> -> memref<64x128xf32, #tpu.memory_space<vmem>>
    %dma_start3A_187 = arith.constant 0 : i32
    %dma_start3A_188 = tpu.memref_slice %arg3[%dma_start3A_187, %multiple_of3A_182] : memref<64x1000000xf32, #tpu.memory_space<hbm>> -> memref<64x128xf32, #tpu.memory_space<hbm>>
    %dma_start3A_189 = tpu.memref_slice %arg11[%dma_start3A_183] : memref<8x!tpu.dma_semaphore, #tpu.memory_space<semaphore_mem>> -> memref<1x!tpu.dma_semaphore, #tpu.memory_space<semaphore_mem>>
    %dma_start3A_190 = tpu.memref_squeeze %dma_start3A_189 : memref<1x!tpu.dma_semaphore, #tpu.memory_space<semaphore_mem>> -> memref<!tpu.dma_semaphore, #tpu.memory_space<semaphore_mem>>
    %dma_start3A_191 = arith.constant 256 : i32
    %dma_start3A_192 = arith.constant 0 : i32
    %dma_start3A_193 = tpu.memref_slice %arg9[%dma_start3A_191, %dma_start3A_192] : memref<512x128xf32, #tpu.memory_space<vmem>> -> memref<64x128xf32, #tpu.memory_space<vmem>>
    %dma_start3A_194 = arith.constant 0 : i32
    %dma_start3A_195 = tpu.memref_slice %arg3[%dma_start3A_194, %multiple_of3A_182] : memref<64x1000000xf32, #tpu.memory_space<hbm>> -> memref<64x128xf32, #tpu.memory_space<hbm>>
    tpu.enqueue_dma source(%dma_start3A_195 : memref<64x128xf32, #tpu.memory_space<hbm>>) target(%dma_start3A_193 : memref<64x128xf32, #tpu.memory_space<vmem>>) target_semaphore(%dma_start3A_190 : memref<!tpu.dma_semaphore, #tpu.memory_space<semaphore_mem>>)
    %get3A_196 = arith.constant 5 : i32
    %get3A_197 = arith.index_cast %get3A_196 : i32 to index
    %get3A_198 = memref.load %arg6[%get3A_197] : memref<256xi32, #tpu.memory_space<smem>>
    %shift_right_arithmetic3A_199 = arith.constant 7 : i32
    %shift_right_arithmetic3A_200 = arith.shrsi %get3A_198, %shift_right_arithmetic3A_199 : i32
    %mul3A_201 = arith.constant 128 : i32
    %mul3A_202 = arith.muli %shift_right_arithmetic3A_200, %mul3A_201 : i32
    %multiple_of3A_203 = tpu.assume_multiple %mul3A_202, 128 : i32
    %dma_start3A_204 = arith.constant 5 : i32
    %dma_start3A_205 = arith.constant 320 : i32
    %dma_start3A_206 = arith.constant 0 : i32
    %dma_start3A_207 = tpu.memref_slice %arg9[%dma_start3A_205, %dma_start3A_206] : memref<512x128xf32, #tpu.memory_space<vmem>> -> memref<64x128xf32, #tpu.memory_space<vmem>>
    %dma_start3A_208 = arith.constant 0 : i32
    %dma_start3A_209 = tpu.memref_slice %arg3[%dma_start3A_208, %multiple_of3A_203] : memref<64x1000000xf32, #tpu.memory_space<hbm>> -> memref<64x128xf32, #tpu.memory_space<hbm>>
    %dma_start3A_210 = tpu.memref_slice %arg11[%dma_start3A_204] : memref<8x!tpu.dma_semaphore, #tpu.memory_space<semaphore_mem>> -> memref<1x!tpu.dma_semaphore, #tpu.memory_space<semaphore_mem>>
    %dma_start3A_211 = tpu.memref_squeeze %dma_start3A_210 : memref<1x!tpu.dma_semaphore, #tpu.memory_space<semaphore_mem>> -> memref<!tpu.dma_semaphore, #tpu.memory_space<semaphore_mem>>
    %dma_start3A_212 = arith.constant 320 : i32
    %dma_start3A_213 = arith.constant 0 : i32
    %dma_start3A_214 = tpu.memref_slice %arg9[%dma_start3A_212, %dma_start3A_213] : memref<512x128xf32, #tpu.memory_space<vmem>> -> memref<64x128xf32, #tpu.memory_space<vmem>>
    %dma_start3A_215 = arith.constant 0 : i32
    %dma_start3A_216 = tpu.memref_slice %arg3[%dma_start3A_215, %multiple_of3A_203] : memref<64x1000000xf32, #tpu.memory_space<hbm>> -> memref<64x128xf32, #tpu.memory_space<hbm>>
    tpu.enqueue_dma source(%dma_start3A_216 : memref<64x128xf32, #tpu.memory_space<hbm>>) target(%dma_start3A_214 : memref<64x128xf32, #tpu.memory_space<vmem>>) target_semaphore(%dma_start3A_211 : memref<!tpu.dma_semaphore, #tpu.memory_space<semaphore_mem>>)
    %get3A_217 = arith.constant 6 : i32
    %get3A_218 = arith.index_cast %get3A_217 : i32 to index
    %get3A_219 = memref.load %arg6[%get3A_218] : memref<256xi32, #tpu.memory_space<smem>>
    %shift_right_arithmetic3A_220 = arith.constant 7 : i32
    %shift_right_arithmetic3A_221 = arith.shrsi %get3A_219, %shift_right_arithmetic3A_220 : i32
    %mul3A_222 = arith.constant 128 : i32
    %mul3A_223 = arith.muli %shift_right_arithmetic3A_221, %mul3A_222 : i32
    %multiple_of3A_224 = tpu.assume_multiple %mul3A_223, 128 : i32
    %dma_start3A_225 = arith.constant 6 : i32
    %dma_start3A_226 = arith.constant 384 : i32
    %dma_start3A_227 = arith.constant 0 : i32
    %dma_start3A_228 = tpu.memref_slice %arg9[%dma_start3A_226, %dma_start3A_227] : memref<512x128xf32, #tpu.memory_space<vmem>> -> memref<64x128xf32, #tpu.memory_space<vmem>>
    %dma_start3A_229 = arith.constant 0 : i32
    %dma_start3A_230 = tpu.memref_slice %arg3[%dma_start3A_229, %multiple_of3A_224] : memref<64x1000000xf32, #tpu.memory_space<hbm>> -> memref<64x128xf32, #tpu.memory_space<hbm>>
    %dma_start3A_231 = tpu.memref_slice %arg11[%dma_start3A_225] : memref<8x!tpu.dma_semaphore, #tpu.memory_space<semaphore_mem>> -> memref<1x!tpu.dma_semaphore, #tpu.memory_space<semaphore_mem>>
    %dma_start3A_232 = tpu.memref_squeeze %dma_start3A_231 : memref<1x!tpu.dma_semaphore, #tpu.memory_space<semaphore_mem>> -> memref<!tpu.dma_semaphore, #tpu.memory_space<semaphore_mem>>
    %dma_start3A_233 = arith.constant 384 : i32
    %dma_start3A_234 = arith.constant 0 : i32
    %dma_start3A_235 = tpu.memref_slice %arg9[%dma_start3A_233, %dma_start3A_234] : memref<512x128xf32, #tpu.memory_space<vmem>> -> memref<64x128xf32, #tpu.memory_space<vmem>>
    %dma_start3A_236 = arith.constant 0 : i32
    %dma_start3A_237 = tpu.memref_slice %arg3[%dma_start3A_236, %multiple_of3A_224] : memref<64x1000000xf32, #tpu.memory_space<hbm>> -> memref<64x128xf32, #tpu.memory_space<hbm>>
    tpu.enqueue_dma source(%dma_start3A_237 : memref<64x128xf32, #tpu.memory_space<hbm>>) target(%dma_start3A_235 : memref<64x128xf32, #tpu.memory_space<vmem>>) target_semaphore(%dma_start3A_232 : memref<!tpu.dma_semaphore, #tpu.memory_space<semaphore_mem>>)
    %get3A_238 = arith.constant 7 : i32
    %get3A_239 = arith.index_cast %get3A_238 : i32 to index
    %get3A_240 = memref.load %arg6[%get3A_239] : memref<256xi32, #tpu.memory_space<smem>>
    %shift_right_arithmetic3A_241 = arith.constant 7 : i32
    %shift_right_arithmetic3A_242 = arith.shrsi %get3A_240, %shift_right_arithmetic3A_241 : i32
    %mul3A_243 = arith.constant 128 : i32
    %mul3A_244 = arith.muli %shift_right_arithmetic3A_242, %mul3A_243 : i32
    %multiple_of3A_245 = tpu.assume_multiple %mul3A_244, 128 : i32
    %dma_start3A_246 = arith.constant 7 : i32
    %dma_start3A_247 = arith.constant 448 : i32
    %dma_start3A_248 = arith.constant 0 : i32
    %dma_start3A_249 = tpu.memref_slice %arg9[%dma_start3A_247, %dma_start3A_248] : memref<512x128xf32, #tpu.memory_space<vmem>> -> memref<64x128xf32, #tpu.memory_space<vmem>>
    %dma_start3A_250 = arith.constant 0 : i32
    %dma_start3A_251 = tpu.memref_slice %arg3[%dma_start3A_250, %multiple_of3A_245] : memref<64x1000000xf32, #tpu.memory_space<hbm>> -> memref<64x128xf32, #tpu.memory_space<hbm>>
    %dma_start3A_252 = tpu.memref_slice %arg11[%dma_start3A_246] : memref<8x!tpu.dma_semaphore, #tpu.memory_space<semaphore_mem>> -> memref<1x!tpu.dma_semaphore, #tpu.memory_space<semaphore_mem>>
    %dma_start3A_253 = tpu.memref_squeeze %dma_start3A_252 : memref<1x!tpu.dma_semaphore, #tpu.memory_space<semaphore_mem>> -> memref<!tpu.dma_semaphore, #tpu.memory_space<semaphore_mem>>
    %dma_start3A_254 = arith.constant 448 : i32
    %dma_start3A_255 = arith.constant 0 : i32
    %dma_start3A_256 = tpu.memref_slice %arg9[%dma_start3A_254, %dma_start3A_255] : memref<512x128xf32, #tpu.memory_space<vmem>> -> memref<64x128xf32, #tpu.memory_space<vmem>>
    %dma_start3A_257 = arith.constant 0 : i32
    %dma_start3A_258 = tpu.memref_slice %arg3[%dma_start3A_257, %multiple_of3A_245] : memref<64x1000000xf32, #tpu.memory_space<hbm>> -> memref<64x128xf32, #tpu.memory_space<hbm>>
    tpu.enqueue_dma source(%dma_start3A_258 : memref<64x128xf32, #tpu.memory_space<hbm>>) target(%dma_start3A_256 : memref<64x128xf32, #tpu.memory_space<vmem>>) target_semaphore(%dma_start3A_253 : memref<!tpu.dma_semaphore, #tpu.memory_space<semaphore_mem>>)
    %scan3A = arith.constant 0 : i32
    %scan3A_259 = arith.constant 1 : i32
    %scan3A_260 = arith.constant 15 : i32
    %scan3A_261 = arith.addi %scan3A_259, %scan3A_260 : i32
    %scan3A_262 = arith.constant 1 : i32
    scf.for %scan3A_275 = %scan3A_259 to %scan3A_261 step %scan3A_262  : i32 {
      %mul3A_276 = arith.constant 16 : i32
      %mul3A_277 = arith.muli %scan3A_275, %mul3A_276 : i32
      %get3A_278 = arith.index_cast %mul3A_277 : i32 to index
      %get3A_279 = tpu.vector_load %arg7[%get3A_278] {strides = array<i32>} : memref<256xi32, #tpu.memory_space<vmem>>, vector<16xi32>,
      %slice3A_280 = vector.extract_strided_slice %get3A_279 {offsets = [0], sizes = [1], strides = [1]} : vector<16xi32> to vector<1xi32>
      %squeeze3A_281 = vector.extract %slice3A_280[0] : i32 from vector<1xi32>
      %mul3A_282 = arith.constant 16 : i32
      %mul3A_283 = arith.muli %scan3A_275, %mul3A_282 : i32
      %add3A_284 = arith.constant 0 : i32
      %add3A_285 = arith.addi %mul3A_283, %add3A_284 : i32
      %swap3A_286 = arith.index_cast %add3A_285 : i32 to index
      %swap3A_287 = memref.load %arg6[%swap3A_286] : memref<256xi32, #tpu.memory_space<smem>>
      memref.store %squeeze3A_281, %arg6[%swap3A_286] : memref<256xi32, #tpu.memory_space<smem>>
      %slice3A_288 = vector.extract_strided_slice %get3A_279 {offsets = [1], sizes = [1], strides = [1]} : vector<16xi32> to vector<1xi32>
      %squeeze3A_289 = vector.extract %slice3A_288[0] : i32 from vector<1xi32>
      %mul3A_290 = arith.constant 16 : i32
      %mul3A_291 = arith.muli %scan3A_275, %mul3A_290 : i32
      %add3A_292 = arith.constant 1 : i32
      %add3A_293 = arith.addi %mul3A_291, %add3A_292 : i32
      %swap3A_294 = arith.index_cast %add3A_293 : i32 to index
      %swap3A_295 = memref.load %arg6[%swap3A_294] : memref<256xi32, #tpu.memory_space<smem>>
      memref.store %squeeze3A_289, %arg6[%swap3A_294] : memref<256xi32, #tpu.memory_space<smem>>
      %slice3A_296 = vector.extract_strided_slice %get3A_279 {offsets = [2], sizes = [1], strides = [1]} : vector<16xi32> to vector<1xi32>
      %squeeze3A_297 = vector.extract %slice3A_296[0] : i32 from vector<1xi32>
      %mul3A_298 = arith.constant 16 : i32
      %mul3A_299 = arith.muli %scan3A_275, %mul3A_298 : i32
      %add3A_300 = arith.constant 2 : i32
      %add3A_301 = arith.addi %mul3A_299, %add3A_300 : i32
      %swap3A_302 = arith.index_cast %add3A_301 : i32 to index
      %swap3A_303 = memref.load %arg6[%swap3A_302] : memref<256xi32, #tpu.memory_space<smem>>
      memref.store %squeeze3A_297, %arg6[%swap3A_302] : memref<256xi32, #tpu.memory_space<smem>>
      %slice3A_304 = vector.extract_strided_slice %get3A_279 {offsets = [3], sizes = [1], strides = [1]} : vector<16xi32> to vector<1xi32>
      %squeeze3A_305 = vector.extract %slice3A_304[0] : i32 from vector<1xi32>
      %mul3A_306 = arith.constant 16 : i32
      %mul3A_307 = arith.muli %scan3A_275, %mul3A_306 : i32
      %add3A_308 = arith.constant 3 : i32
      %add3A_309 = arith.addi %mul3A_307, %add3A_308 : i32
      %swap3A_310 = arith.index_cast %add3A_309 : i32 to index
      %swap3A_311 = memref.load %arg6[%swap3A_310] : memref<256xi32, #tpu.memory_space<smem>>
      memref.store %squeeze3A_305, %arg6[%swap3A_310] : memref<256xi32, #tpu.memory_space<smem>>
      %slice3A_312 = vector.extract_strided_slice %get3A_279 {offsets = [4], sizes = [1], strides = [1]} : vector<16xi32> to vector<1xi32>
      %squeeze3A_313 = vector.extract %slice3A_312[0] : i32 from vector<1xi32>
      %mul3A_314 = arith.constant 16 : i32
      %mul3A_315 = arith.muli %scan3A_275, %mul3A_314 : i32
      %add3A_316 = arith.constant 4 : i32
      %add3A_317 = arith.addi %mul3A_315, %add3A_316 : i32
      %swap3A_318 = arith.index_cast %add3A_317 : i32 to index
      %swap3A_319 = memref.load %arg6[%swap3A_318] : memref<256xi32, #tpu.memory_space<smem>>
      memref.store %squeeze3A_313, %arg6[%swap3A_318] : memref<256xi32, #tpu.memory_space<smem>>
      %slice3A_320 = vector.extract_strided_slice %get3A_279 {offsets = [5], sizes = [1], strides = [1]} : vector<16xi32> to vector<1xi32>
      %squeeze3A_321 = vector.extract %slice3A_320[0] : i32 from vector<1xi32>
      %mul3A_322 = arith.constant 16 : i32
      %mul3A_323 = arith.muli %scan3A_275, %mul3A_322 : i32
      %add3A_324 = arith.constant 5 : i32
      %add3A_325 = arith.addi %mul3A_323, %add3A_324 : i32
      %swap3A_326 = arith.index_cast %add3A_325 : i32 to index
      %swap3A_327 = memref.load %arg6[%swap3A_326] : memref<256xi32, #tpu.memory_space<smem>>
      memref.store %squeeze3A_321, %arg6[%swap3A_326] : memref<256xi32, #tpu.memory_space<smem>>
      %slice3A_328 = vector.extract_strided_slice %get3A_279 {offsets = [6], sizes = [1], strides = [1]} : vector<16xi32> to vector<1xi32>
      %squeeze3A_329 = vector.extract %slice3A_328[0] : i32 from vector<1xi32>
      %mul3A_330 = arith.constant 16 : i32
      %mul3A_331 = arith.muli %scan3A_275, %mul3A_330 : i32
      %add3A_332 = arith.constant 6 : i32
      %add3A_333 = arith.addi %mul3A_331, %add3A_332 : i32
      %swap3A_334 = arith.index_cast %add3A_333 : i32 to index
      %swap3A_335 = memref.load %arg6[%swap3A_334] : memref<256xi32, #tpu.memory_space<smem>>
      memref.store %squeeze3A_329, %arg6[%swap3A_334] : memref<256xi32, #tpu.memory_space<smem>>
      %slice3A_336 = vector.extract_strided_slice %get3A_279 {offsets = [7], sizes = [1], strides = [1]} : vector<16xi32> to vector<1xi32>
      %squeeze3A_337 = vector.extract %slice3A_336[0] : i32 from vector<1xi32>
      %mul3A_338 = arith.constant 16 : i32
      %mul3A_339 = arith.muli %scan3A_275, %mul3A_338 : i32
      %add3A_340 = arith.constant 7 : i32
      %add3A_341 = arith.addi %mul3A_339, %add3A_340 : i32
      %swap3A_342 = arith.index_cast %add3A_341 : i32 to index
      %swap3A_343 = memref.load %arg6[%swap3A_342] : memref<256xi32, #tpu.memory_space<smem>>
      memref.store %squeeze3A_337, %arg6[%swap3A_342] : memref<256xi32, #tpu.memory_space<smem>>
      %slice3A_344 = vector.extract_strided_slice %get3A_279 {offsets = [8], sizes = [1], strides = [1]} : vector<16xi32> to vector<1xi32>
      %squeeze3A_345 = vector.extract %slice3A_344[0] : i32 from vector<1xi32>
      %mul3A_346 = arith.constant 16 : i32
      %mul3A_347 = arith.muli %scan3A_275, %mul3A_346 : i32
      %add3A_348 = arith.constant 8 : i32
      %add3A_349 = arith.addi %mul3A_347, %add3A_348 : i32
      %swap3A_350 = arith.index_cast %add3A_349 : i32 to index
      %swap3A_351 = memref.load %arg6[%swap3A_350] : memref<256xi32, #tpu.memory_space<smem>>
      memref.store %squeeze3A_345, %arg6[%swap3A_350] : memref<256xi32, #tpu.memory_space<smem>>
      %slice3A_352 = vector.extract_strided_slice %get3A_279 {offsets = [9], sizes = [1], strides = [1]} : vector<16xi32> to vector<1xi32>
      %squeeze3A_353 = vector.extract %slice3A_352[0] : i32 from vector<1xi32>
      %mul3A_354 = arith.constant 16 : i32
      %mul3A_355 = arith.muli %scan3A_275, %mul3A_354 : i32
      %add3A_356 = arith.constant 9 : i32
      %add3A_357 = arith.addi %mul3A_355, %add3A_356 : i32
      %swap3A_358 = arith.index_cast %add3A_357 : i32 to index
      %swap3A_359 = memref.load %arg6[%swap3A_358] : memref<256xi32, #tpu.memory_space<smem>>
      memref.store %squeeze3A_353, %arg6[%swap3A_358] : memref<256xi32, #tpu.memory_space<smem>>
      %slice3A_360 = vector.extract_strided_slice %get3A_279 {offsets = [10], sizes = [1], strides = [1]} : vector<16xi32> to vector<1xi32>
      %squeeze3A_361 = vector.extract %slice3A_360[0] : i32 from vector<1xi32>
      %mul3A_362 = arith.constant 16 : i32
      %mul3A_363 = arith.muli %scan3A_275, %mul3A_362 : i32
      %add3A_364 = arith.constant 10 : i32
      %add3A_365 = arith.addi %mul3A_363, %add3A_364 : i32
      %swap3A_366 = arith.index_cast %add3A_365 : i32 to index
      %swap3A_367 = memref.load %arg6[%swap3A_366] : memref<256xi32, #tpu.memory_space<smem>>
      memref.store %squeeze3A_361, %arg6[%swap3A_366] : memref<256xi32, #tpu.memory_space<smem>>
      %slice3A_368 = vector.extract_strided_slice %get3A_279 {offsets = [11], sizes = [1], strides = [1]} : vector<16xi32> to vector<1xi32>
      %squeeze3A_369 = vector.extract %slice3A_368[0] : i32 from vector<1xi32>
      %mul3A_370 = arith.constant 16 : i32
      %mul3A_371 = arith.muli %scan3A_275, %mul3A_370 : i32
      %add3A_372 = arith.constant 11 : i32
      %add3A_373 = arith.addi %mul3A_371, %add3A_372 : i32
      %swap3A_374 = arith.index_cast %add3A_373 : i32 to index
      %swap3A_375 = memref.load %arg6[%swap3A_374] : memref<256xi32, #tpu.memory_space<smem>>
      memref.store %squeeze3A_369, %arg6[%swap3A_374] : memref<256xi32, #tpu.memory_space<smem>>
      %slice3A_376 = vector.extract_strided_slice %get3A_279 {offsets = [12], sizes = [1], strides = [1]} : vector<16xi32> to vector<1xi32>
      %squeeze3A_377 = vector.extract %slice3A_376[0] : i32 from vector<1xi32>
      %mul3A_378 = arith.constant 16 : i32
      %mul3A_379 = arith.muli %scan3A_275, %mul3A_378 : i32
      %add3A_380 = arith.constant 12 : i32
      %add3A_381 = arith.addi %mul3A_379, %add3A_380 : i32
      %swap3A_382 = arith.index_cast %add3A_381 : i32 to index
      %swap3A_383 = memref.load %arg6[%swap3A_382] : memref<256xi32, #tpu.memory_space<smem>>
      memref.store %squeeze3A_377, %arg6[%swap3A_382] : memref<256xi32, #tpu.memory_space<smem>>
      %slice3A_384 = vector.extract_strided_slice %get3A_279 {offsets = [13], sizes = [1], strides = [1]} : vector<16xi32> to vector<1xi32>
      %squeeze3A_385 = vector.extract %slice3A_384[0] : i32 from vector<1xi32>
      %mul3A_386 = arith.constant 16 : i32
      %mul3A_387 = arith.muli %scan3A_275, %mul3A_386 : i32
      %add3A_388 = arith.constant 13 : i32
      %add3A_389 = arith.addi %mul3A_387, %add3A_388 : i32
      %swap3A_390 = arith.index_cast %add3A_389 : i32 to index
      %swap3A_391 = memref.load %arg6[%swap3A_390] : memref<256xi32, #tpu.memory_space<smem>>
      memref.store %squeeze3A_385, %arg6[%swap3A_390] : memref<256xi32, #tpu.memory_space<smem>>
      %slice3A_392 = vector.extract_strided_slice %get3A_279 {offsets = [14], sizes = [1], strides = [1]} : vector<16xi32> to vector<1xi32>
      %squeeze3A_393 = vector.extract %slice3A_392[0] : i32 from vector<1xi32>
      %mul3A_394 = arith.constant 16 : i32
      %mul3A_395 = arith.muli %scan3A_275, %mul3A_394 : i32
      %add3A_396 = arith.constant 14 : i32
      %add3A_397 = arith.addi %mul3A_395, %add3A_396 : i32
      %swap3A_398 = arith.index_cast %add3A_397 : i32 to index
      %swap3A_399 = memref.load %arg6[%swap3A_398] : memref<256xi32, #tpu.memory_space<smem>>
      memref.store %squeeze3A_393, %arg6[%swap3A_398] : memref<256xi32, #tpu.memory_space<smem>>
      %slice3A_400 = vector.extract_strided_slice %get3A_279 {offsets = [15], sizes = [1], strides = [1]} : vector<16xi32> to vector<1xi32>
      %squeeze3A_401 = vector.extract %slice3A_400[0] : i32 from vector<1xi32>
      %mul3A_402 = arith.constant 16 : i32
      %mul3A_403 = arith.muli %scan3A_275, %mul3A_402 : i32
      %add3A_404 = arith.constant 15 : i32
      %add3A_405 = arith.addi %mul3A_403, %add3A_404 : i32
      %swap3A_406 = arith.index_cast %add3A_405 : i32 to index
      %swap3A_407 = memref.load %arg6[%swap3A_406] : memref<256xi32, #tpu.memory_space<smem>>
      memref.store %squeeze3A_401, %arg6[%swap3A_406] : memref<256xi32, #tpu.memory_space<smem>>
    }
    %scan3A_263 = arith.constant 15 : i32
    %dma_wait3A = arith.constant 0 : i32
    %dma_wait3A_264 = tpu.memref_slice %arg4[%select_n3A_11, %dma_wait3A] : memref<2048x64xf32, #tpu.memory_space<hbm>> -> memref<256x64xf32, #tpu.memory_space<hbm>>
    %dma_wait3A_265 = arith.constant 0 : i32
    %dma_wait3A_266 = tpu.memref_slice %arg4[%select_n3A_11, %dma_wait3A_265] : memref<2048x64xf32, #tpu.memory_space<hbm>> -> memref<256x64xf32, #tpu.memory_space<hbm>>
    tpu.wait_dma2 semaphore(%arg12 : memref<!tpu.dma_semaphore, #tpu.memory_space<semaphore_mem>>) src(%dma_wait3A_266 : memref<256x64xf32, #tpu.memory_space<hbm>>) dst(%arg8 : memref<256x64xf32, #tpu.memory_space<vmem>>)
    %scan3A_267 = arith.constant 0 : i32
    %scan3A_268 = arith.constant 0 : i32
    %scan3A_269 = arith.constant 32 : i32
    %scan3A_270 = arith.addi %scan3A_268, %scan3A_269 : i32
    %scan3A_271 = arith.constant 1 : i32
    scf.for %scan3A_275 = %scan3A_268 to %scan3A_270 step %scan3A_271  : i32 {
      %mul3A_276 = arith.constant 8 : i32
      %mul3A_277 = arith.muli %scan3A_275, %mul3A_276 : i32
      %add3A_278 = arith.constant 0 : i32
      %add3A_279 = arith.addi %mul3A_277, %add3A_278 : i32
      %get3A_280 = arith.index_cast %add3A_279 : i32 to index
      %get3A_281 = memref.load %arg6[%get3A_280] : memref<256xi32, #tpu.memory_space<smem>>
      %dma_wait3A_282 = arith.constant 0 : i32
      %dma_wait3A_283 = arith.constant 0 : i32
      %dma_wait3A_284 = arith.constant 0 : i32
      %dma_wait3A_285 = tpu.memref_slice %arg9[%dma_wait3A_283, %dma_wait3A_284] : memref<512x128xf32, #tpu.memory_space<vmem>> -> memref<64x128xf32, #tpu.memory_space<vmem>>
      %dma_wait3A_286 = arith.constant 0 : i32
      %dma_wait3A_287 = arith.constant 0 : i32
      %dma_wait3A_288 = tpu.memref_slice %arg3[%dma_wait3A_286, %dma_wait3A_287] : memref<64x1000000xf32, #tpu.memory_space<hbm>> -> memref<64x128xf32, #tpu.memory_space<hbm>>
      %dma_wait3A_289 = tpu.memref_slice %arg11[%dma_wait3A_282] : memref<8x!tpu.dma_semaphore, #tpu.memory_space<semaphore_mem>> -> memref<1x!tpu.dma_semaphore, #tpu.memory_space<semaphore_mem>>
      %dma_wait3A_290 = tpu.memref_squeeze %dma_wait3A_289 : memref<1x!tpu.dma_semaphore, #tpu.memory_space<semaphore_mem>> -> memref<!tpu.dma_semaphore, #tpu.memory_space<semaphore_mem>>
      %dma_wait3A_291 = arith.constant 0 : i32
      %dma_wait3A_292 = arith.constant 0 : i32
      %dma_wait3A_293 = tpu.memref_slice %arg9[%dma_wait3A_291, %dma_wait3A_292] : memref<512x128xf32, #tpu.memory_space<vmem>> -> memref<64x128xf32, #tpu.memory_space<vmem>>
      %dma_wait3A_294 = arith.constant 0 : i32
      %dma_wait3A_295 = arith.constant 0 : i32
      %dma_wait3A_296 = tpu.memref_slice %arg3[%dma_wait3A_294, %dma_wait3A_295] : memref<64x1000000xf32, #tpu.memory_space<hbm>> -> memref<64x128xf32, #tpu.memory_space<hbm>>
      tpu.wait_dma2 semaphore(%dma_wait3A_290 : memref<!tpu.dma_semaphore, #tpu.memory_space<semaphore_mem>>) src(%dma_wait3A_296 : memref<64x128xf32, #tpu.memory_space<hbm>>) dst(%dma_wait3A_293 : memref<64x128xf32, #tpu.memory_space<vmem>>)
      %broadcast_in_dim3A = arith.constant 0 : i32
      %broadcast_in_dim3A_297 = vector.broadcast %broadcast_in_dim3A : i32 to vector<16xi32>
      %and3A_298 = arith.constant 127 : i32
      %and3A_299 = arith.andi %get3A_281, %and3A_298 : i32
      %add3A_300 = vector.broadcast %and3A_299 : i32 to vector<16xi32>
      %add3A_301 = arith.addi %broadcast_in_dim3A_297, %add3A_300 : vector<16xi32>
      %add3A_302 = arith.constant 0 : i32
      %add3A_303 = vector.broadcast %add3A_302 : i32 to vector<16xi32>
      %add3A_304 = arith.addi %add3A_303, %iota3A : vector<16xi32>
      %add3A_305 = arith.constant 0 : i32
      %add3A_306 = vector.broadcast %add3A_305 : i32 to vector<16xi32>
      %add3A_307 = arith.addi %add3A_304, %add3A_306 : vector<16xi32>
      %gather3A = tpu.vector_load_idx %arg9[%add3A_307, %add3A_301] : memref<512x128xf32, #tpu.memory_space<vmem>>[vector<16xi32>, vector<16xi32>], vector<16xf32>,
      %get3A_308 = arith.index_cast %add3A_279 : i32 to index
      %get3A_309 = arith.constant 0 : index
      %get3A_310 = tpu.vector_load %arg8[%get3A_308, %get3A_309] {strides = array<i32>} : memref<256x64xf32, #tpu.memory_space<vmem>>, vector<16xf32>,
      %add3A_311 = arith.addf %gather3A, %get3A_310 : vector<16xf32>
      %and3A_312 = arith.constant 127 : i32
      %and3A_313 = arith.andi %add3A_279, %and3A_312 : i32
      %swap3A_314 = arith.index_cast %and3A_313 : i32 to index
      %swap3A_315 = arith.constant 0 : index
      %swap3A_316 = tpu.vector_load %arg10[%swap3A_314, %swap3A_315] {strides = array<i32>} : memref<128x64xf32, #tpu.memory_space<vmem>>, vector<16xf32>,
      tpu.vector_store %arg10[%swap3A_314, %swap3A_315], %add3A_311 {strides = array<i32>} : memref<128x64xf32, #tpu.memory_space<vmem>>, vector<16xf32>,
      %add3A_317 = arith.constant 0 : i32
      %add3A_318 = vector.broadcast %add3A_317 : i32 to vector<16xi32>
      %add3A_319 = arith.addi %add3A_318, %iota3A : vector<16xi32>
      %add3A_320 = arith.constant 16 : i32
      %add3A_321 = vector.broadcast %add3A_320 : i32 to vector<16xi32>
      %add3A_322 = arith.addi %add3A_319, %add3A_321 : vector<16xi32>
      %gather3A_323 = tpu.vector_load_idx %arg9[%add3A_322, %add3A_301] : memref<512x128xf32, #tpu.memory_space<vmem>>[vector<16xi32>, vector<16xi32>], vector<16xf32>,
      %get3A_324 = arith.index_cast %add3A_279 : i32 to index
      %get3A_325 = arith.constant 16 : index
      %get3A_326 = tpu.vector_load %arg8[%get3A_324, %get3A_325] {strides = array<i32>} : memref<256x64xf32, #tpu.memory_space<vmem>>, vector<16xf32>,
      %add3A_327 = arith.addf %gather3A_323, %get3A_326 : vector<16xf32>
      %and3A_328 = arith.constant 127 : i32
      %and3A_329 = arith.andi %add3A_279, %and3A_328 : i32
      %swap3A_330 = arith.index_cast %and3A_329 : i32 to index
      %swap3A_331 = arith.constant 16 : index
      %swap3A_332 = tpu.vector_load %arg10[%swap3A_330, %swap3A_331] {strides = array<i32>} : memref<128x64xf32, #tpu.memory_space<vmem>>, vector<16xf32>,
      tpu.vector_store %arg10[%swap3A_330, %swap3A_331], %add3A_327 {strides = array<i32>} : memref<128x64xf32, #tpu.memory_space<vmem>>, vector<16xf32>,
      %add3A_333 = arith.constant 0 : i32
      %add3A_334 = vector.broadcast %add3A_333 : i32 to vector<16xi32>
      %add3A_335 = arith.addi %add3A_334, %iota3A : vector<16xi32>
      %add3A_336 = arith.constant 32 : i32
      %add3A_337 = vector.broadcast %add3A_336 : i32 to vector<16xi32>
      %add3A_338 = arith.addi %add3A_335, %add3A_337 : vector<16xi32>
      %gather3A_339 = tpu.vector_load_idx %arg9[%add3A_338, %add3A_301] : memref<512x128xf32, #tpu.memory_space<vmem>>[vector<16xi32>, vector<16xi32>], vector<16xf32>,
      %get3A_340 = arith.index_cast %add3A_279 : i32 to index
      %get3A_341 = arith.constant 32 : index
      %get3A_342 = tpu.vector_load %arg8[%get3A_340, %get3A_341] {strides = array<i32>} : memref<256x64xf32, #tpu.memory_space<vmem>>, vector<16xf32>,
      %add3A_343 = arith.addf %gather3A_339, %get3A_342 : vector<16xf32>
      %and3A_344 = arith.constant 127 : i32
      %and3A_345 = arith.andi %add3A_279, %and3A_344 : i32
      %swap3A_346 = arith.index_cast %and3A_345 : i32 to index
      %swap3A_347 = arith.constant 32 : index
      %swap3A_348 = tpu.vector_load %arg10[%swap3A_346, %swap3A_347] {strides = array<i32>} : memref<128x64xf32, #tpu.memory_space<vmem>>, vector<16xf32>,
      tpu.vector_store %arg10[%swap3A_346, %swap3A_347], %add3A_343 {strides = array<i32>} : memref<128x64xf32, #tpu.memory_space<vmem>>, vector<16xf32>,
      %add3A_349 = arith.constant 0 : i32
      %add3A_350 = vector.broadcast %add3A_349 : i32 to vector<16xi32>
      %add3A_351 = arith.addi %add3A_350, %iota3A : vector<16xi32>
      %add3A_352 = arith.constant 48 : i32
      %add3A_353 = vector.broadcast %add3A_352 : i32 to vector<16xi32>
      %add3A_354 = arith.addi %add3A_351, %add3A_353 : vector<16xi32>
      %gather3A_355 = tpu.vector_load_idx %arg9[%add3A_354, %add3A_301] : memref<512x128xf32, #tpu.memory_space<vmem>>[vector<16xi32>, vector<16xi32>], vector<16xf32>,
      %get3A_356 = arith.index_cast %add3A_279 : i32 to index
      %get3A_357 = arith.constant 48 : index
      %get3A_358 = tpu.vector_load %arg8[%get3A_356, %get3A_357] {strides = array<i32>} : memref<256x64xf32, #tpu.memory_space<vmem>>, vector<16xf32>,
      %add3A_359 = arith.addf %gather3A_355, %get3A_358 : vector<16xf32>
      %and3A_360 = arith.constant 127 : i32
      %and3A_361 = arith.andi %add3A_279, %and3A_360 : i32
      %swap3A_362 = arith.index_cast %and3A_361 : i32 to index
      %swap3A_363 = arith.constant 48 : index
      %swap3A_364 = tpu.vector_load %arg10[%swap3A_362, %swap3A_363] {strides = array<i32>} : memref<128x64xf32, #tpu.memory_space<vmem>>, vector<16xf32>,
      tpu.vector_store %arg10[%swap3A_362, %swap3A_363], %add3A_359 {strides = array<i32>} : memref<128x64xf32, #tpu.memory_space<vmem>>, vector<16xf32>,
      %add3A_365 = arith.constant 0 : i32
      %add3A_366 = arith.addi %mul3A_277, %add3A_365 : i32
      %lt3A_367 = arith.constant 248 : i32
      %lt3A_368 = arith.cmpi slt, %add3A_366, %lt3A_367 : i32
      %convert_element_type3A = arith.extui %lt3A_368 : i1 to i32
      %cond3A = arith.constant 0 : i32
      %cond3A_369 = arith.cmpi ne, %convert_element_type3A, %cond3A : i32
      scf.if %cond3A_369 {
        %add3A_1047 = arith.constant 0 : i32
        %add3A_1048 = arith.addi %mul3A_277, %add3A_1047 : i32
        %add3A_1049 = arith.constant 8 : i32
        %add3A_1050 = arith.addi %add3A_1048, %add3A_1049 : i32
        %get3A_1051 = arith.index_cast %add3A_1050 : i32 to index
        %get3A_1052 = memref.load %arg6[%get3A_1051] : memref<256xi32, #tpu.memory_space<smem>>
        %shift_right_arithmetic3A_1053 = arith.constant 7 : i32
        %shift_right_arithmetic3A_1054 = arith.shrsi %get3A_1052, %shift_right_arithmetic3A_1053 : i32
        %mul3A_1055 = arith.constant 128 : i32
        %mul3A_1056 = arith.muli %shift_right_arithmetic3A_1054, %mul3A_1055 : i32
        %multiple_of3A_1057 = tpu.assume_multiple %mul3A_1056, 128 : i32
        %dma_start3A_1058 = arith.constant 0 : i32
        %dma_start3A_1059 = arith.constant 0 : i32
        %dma_start3A_1060 = arith.constant 0 : i32
        %dma_start3A_1061 = tpu.memref_slice %arg9[%dma_start3A_1059, %dma_start3A_1060] : memref<512x128xf32, #tpu.memory_space<vmem>> -> memref<64x128xf32, #tpu.memory_space<vmem>>
        %dma_start3A_1062 = arith.constant 0 : i32
        %dma_start3A_1063 = tpu.memref_slice %arg3[%dma_start3A_1062, %multiple_of3A_1057] : memref<64x1000000xf32, #tpu.memory_space<hbm>> -> memref<64x128xf32, #tpu.memory_space<hbm>>
        %dma_start3A_1064 = tpu.memref_slice %arg11[%dma_start3A_1058] : memref<8x!tpu.dma_semaphore, #tpu.memory_space<semaphore_mem>> -> memref<1x!tpu.dma_semaphore, #tpu.memory_space<semaphore_mem>>
        %dma_start3A_1065 = tpu.memref_squeeze %dma_start3A_1064 : memref<1x!tpu.dma_semaphore, #tpu.memory_space<semaphore_mem>> -> memref<!tpu.dma_semaphore, #tpu.memory_space<semaphore_mem>>
        %dma_start3A_1066 = arith.constant 0 : i32
        %dma_start3A_1067 = arith.constant 0 : i32
        %dma_start3A_1068 = tpu.memref_slice %arg9[%dma_start3A_1066, %dma_start3A_1067] : memref<512x128xf32, #tpu.memory_space<vmem>> -> memref<64x128xf32, #tpu.memory_space<vmem>>
        %dma_start3A_1069 = arith.constant 0 : i32
        %dma_start3A_1070 = tpu.memref_slice %arg3[%dma_start3A_1069, %multiple_of3A_1057] : memref<64x1000000xf32, #tpu.memory_space<hbm>> -> memref<64x128xf32, #tpu.memory_space<hbm>>
        tpu.enqueue_dma source(%dma_start3A_1070 : memref<64x128xf32, #tpu.memory_space<hbm>>) target(%dma_start3A_1068 : memref<64x128xf32, #tpu.memory_space<vmem>>) target_semaphore(%dma_start3A_1065 : memref<!tpu.dma_semaphore, #tpu.memory_space<semaphore_mem>>)
      } else {
      }
      %add3A_370 = arith.constant 1 : i32
      %add3A_371 = arith.addi %mul3A_277, %add3A_370 : i32
      %get3A_372 = arith.index_cast %add3A_371 : i32 to index
      %get3A_373 = memref.load %arg6[%get3A_372] : memref<256xi32, #tpu.memory_space<smem>>
      %dma_wait3A_374 = arith.constant 1 : i32
      %dma_wait3A_375 = arith.constant 64 : i32
      %dma_wait3A_376 = arith.constant 0 : i32
      %dma_wait3A_377 = tpu.memref_slice %arg9[%dma_wait3A_375, %dma_wait3A_376] : memref<512x128xf32, #tpu.memory_space<vmem>> -> memref<64x128xf32, #tpu.memory_space<vmem>>
      %dma_wait3A_378 = arith.constant 0 : i32
      %dma_wait3A_379 = arith.constant 0 : i32
      %dma_wait3A_380 = tpu.memref_slice %arg3[%dma_wait3A_378, %dma_wait3A_379] : memref<64x1000000xf32, #tpu.memory_space<hbm>> -> memref<64x128xf32, #tpu.memory_space<hbm>>
      %dma_wait3A_381 = tpu.memref_slice %arg11[%dma_wait3A_374] : memref<8x!tpu.dma_semaphore, #tpu.memory_space<semaphore_mem>> -> memref<1x!tpu.dma_semaphore, #tpu.memory_space<semaphore_mem>>
      %dma_wait3A_382 = tpu.memref_squeeze %dma_wait3A_381 : memref<1x!tpu.dma_semaphore, #tpu.memory_space<semaphore_mem>> -> memref<!tpu.dma_semaphore, #tpu.memory_space<semaphore_mem>>
      %dma_wait3A_383 = arith.constant 64 : i32
      %dma_wait3A_384 = arith.constant 0 : i32
      %dma_wait3A_385 = tpu.memref_slice %arg9[%dma_wait3A_383, %dma_wait3A_384] : memref<512x128xf32, #tpu.memory_space<vmem>> -> memref<64x128xf32, #tpu.memory_space<vmem>>
      %dma_wait3A_386 = arith.constant 0 : i32
      %dma_wait3A_387 = arith.constant 0 : i32
      %dma_wait3A_388 = tpu.memref_slice %arg3[%dma_wait3A_386, %dma_wait3A_387] : memref<64x1000000xf32, #tpu.memory_space<hbm>> -> memref<64x128xf32, #tpu.memory_space<hbm>>
      tpu.wait_dma2 semaphore(%dma_wait3A_382 : memref<!tpu.dma_semaphore, #tpu.memory_space<semaphore_mem>>) src(%dma_wait3A_388 : memref<64x128xf32, #tpu.memory_space<hbm>>) dst(%dma_wait3A_385 : memref<64x128xf32, #tpu.memory_space<vmem>>)
      %broadcast_in_dim3A_389 = arith.constant 0 : i32
      %broadcast_in_dim3A_390 = vector.broadcast %broadcast_in_dim3A_389 : i32 to vector<16xi32>
      %and3A_391 = arith.constant 127 : i32
      %and3A_392 = arith.andi %get3A_373, %and3A_391 : i32
      %add3A_393 = vector.broadcast %and3A_392 : i32 to vector<16xi32>
      %add3A_394 = arith.addi %broadcast_in_dim3A_390, %add3A_393 : vector<16xi32>
      %add3A_395 = arith.constant 64 : i32
      %add3A_396 = vector.broadcast %add3A_395 : i32 to vector<16xi32>
      %add3A_397 = arith.addi %add3A_396, %iota3A : vector<16xi32>
      %add3A_398 = arith.constant 0 : i32
      %add3A_399 = vector.broadcast %add3A_398 : i32 to vector<16xi32>
      %add3A_400 = arith.addi %add3A_397, %add3A_399 : vector<16xi32>
      %gather3A_401 = tpu.vector_load_idx %arg9[%add3A_400, %add3A_394] : memref<512x128xf32, #tpu.memory_space<vmem>>[vector<16xi32>, vector<16xi32>], vector<16xf32>,
      %get3A_402 = arith.index_cast %add3A_371 : i32 to index
      %get3A_403 = arith.constant 0 : index
      %get3A_404 = tpu.vector_load %arg8[%get3A_402, %get3A_403] {strides = array<i32>} : memref<256x64xf32, #tpu.memory_space<vmem>>, vector<16xf32>,
      %add3A_405 = arith.addf %gather3A_401, %get3A_404 : vector<16xf32>
      %and3A_406 = arith.constant 127 : i32
      %and3A_407 = arith.andi %add3A_371, %and3A_406 : i32
      %swap3A_408 = arith.index_cast %and3A_407 : i32 to index
      %swap3A_409 = arith.constant 0 : index
      %swap3A_410 = tpu.vector_load %arg10[%swap3A_408, %swap3A_409] {strides = array<i32>} : memref<128x64xf32, #tpu.memory_space<vmem>>, vector<16xf32>,
      tpu.vector_store %arg10[%swap3A_408, %swap3A_409], %add3A_405 {strides = array<i32>} : memref<128x64xf32, #tpu.memory_space<vmem>>, vector<16xf32>,
      %add3A_411 = arith.constant 64 : i32
      %add3A_412 = vector.broadcast %add3A_411 : i32 to vector<16xi32>
      %add3A_413 = arith.addi %add3A_412, %iota3A : vector<16xi32>
      %add3A_414 = arith.constant 16 : i32
      %add3A_415 = vector.broadcast %add3A_414 : i32 to vector<16xi32>
      %add3A_416 = arith.addi %add3A_413, %add3A_415 : vector<16xi32>
      %gather3A_417 = tpu.vector_load_idx %arg9[%add3A_416, %add3A_394] : memref<512x128xf32, #tpu.memory_space<vmem>>[vector<16xi32>, vector<16xi32>], vector<16xf32>,
      %get3A_418 = arith.index_cast %add3A_371 : i32 to index
      %get3A_419 = arith.constant 16 : index
      %get3A_420 = tpu.vector_load %arg8[%get3A_418, %get3A_419] {strides = array<i32>} : memref<256x64xf32, #tpu.memory_space<vmem>>, vector<16xf32>,
      %add3A_421 = arith.addf %gather3A_417, %get3A_420 : vector<16xf32>
      %and3A_422 = arith.constant 127 : i32
      %and3A_423 = arith.andi %add3A_371, %and3A_422 : i32
      %swap3A_424 = arith.index_cast %and3A_423 : i32 to index
      %swap3A_425 = arith.constant 16 : index
      %swap3A_426 = tpu.vector_load %arg10[%swap3A_424, %swap3A_425] {strides = array<i32>} : memref<128x64xf32, #tpu.memory_space<vmem>>, vector<16xf32>,
      tpu.vector_store %arg10[%swap3A_424, %swap3A_425], %add3A_421 {strides = array<i32>} : memref<128x64xf32, #tpu.memory_space<vmem>>, vector<16xf32>,
      %add3A_427 = arith.constant 64 : i32
      %add3A_428 = vector.broadcast %add3A_427 : i32 to vector<16xi32>
      %add3A_429 = arith.addi %add3A_428, %iota3A : vector<16xi32>
      %add3A_430 = arith.constant 32 : i32
      %add3A_431 = vector.broadcast %add3A_430 : i32 to vector<16xi32>
      %add3A_432 = arith.addi %add3A_429, %add3A_431 : vector<16xi32>
      %gather3A_433 = tpu.vector_load_idx %arg9[%add3A_432, %add3A_394] : memref<512x128xf32, #tpu.memory_space<vmem>>[vector<16xi32>, vector<16xi32>], vector<16xf32>,
      %get3A_434 = arith.index_cast %add3A_371 : i32 to index
      %get3A_435 = arith.constant 32 : index
      %get3A_436 = tpu.vector_load %arg8[%get3A_434, %get3A_435] {strides = array<i32>} : memref<256x64xf32, #tpu.memory_space<vmem>>, vector<16xf32>,
      %add3A_437 = arith.addf %gather3A_433, %get3A_436 : vector<16xf32>
      %and3A_438 = arith.constant 127 : i32
      %and3A_439 = arith.andi %add3A_371, %and3A_438 : i32
      %swap3A_440 = arith.index_cast %and3A_439 : i32 to index
      %swap3A_441 = arith.constant 32 : index
      %swap3A_442 = tpu.vector_load %arg10[%swap3A_440, %swap3A_441] {strides = array<i32>} : memref<128x64xf32, #tpu.memory_space<vmem>>, vector<16xf32>,
      tpu.vector_store %arg10[%swap3A_440, %swap3A_441], %add3A_437 {strides = array<i32>} : memref<128x64xf32, #tpu.memory_space<vmem>>, vector<16xf32>,
      %add3A_443 = arith.constant 64 : i32
      %add3A_444 = vector.broadcast %add3A_443 : i32 to vector<16xi32>
      %add3A_445 = arith.addi %add3A_444, %iota3A : vector<16xi32>
      %add3A_446 = arith.constant 48 : i32
      %add3A_447 = vector.broadcast %add3A_446 : i32 to vector<16xi32>
      %add3A_448 = arith.addi %add3A_445, %add3A_447 : vector<16xi32>
      %gather3A_449 = tpu.vector_load_idx %arg9[%add3A_448, %add3A_394] : memref<512x128xf32, #tpu.memory_space<vmem>>[vector<16xi32>, vector<16xi32>], vector<16xf32>,
      %get3A_450 = arith.index_cast %add3A_371 : i32 to index
      %get3A_451 = arith.constant 48 : index
      %get3A_452 = tpu.vector_load %arg8[%get3A_450, %get3A_451] {strides = array<i32>} : memref<256x64xf32, #tpu.memory_space<vmem>>, vector<16xf32>,
      %add3A_453 = arith.addf %gather3A_449, %get3A_452 : vector<16xf32>
      %and3A_454 = arith.constant 127 : i32
      %and3A_455 = arith.andi %add3A_371, %and3A_454 : i32
      %swap3A_456 = arith.index_cast %and3A_455 : i32 to index
      %swap3A_457 = arith.constant 48 : index
      %swap3A_458 = tpu.vector_load %arg10[%swap3A_456, %swap3A_457] {strides = array<i32>} : memref<128x64xf32, #tpu.memory_space<vmem>>, vector<16xf32>,
      tpu.vector_store %arg10[%swap3A_456, %swap3A_457], %add3A_453 {strides = array<i32>} : memref<128x64xf32, #tpu.memory_space<vmem>>, vector<16xf32>,
      %add3A_459 = arith.constant 1 : i32
      %add3A_460 = arith.addi %mul3A_277, %add3A_459 : i32
      %lt3A_461 = arith.constant 248 : i32
      %lt3A_462 = arith.cmpi slt, %add3A_460, %lt3A_461 : i32
      %convert_element_type3A_463 = arith.extui %lt3A_462 : i1 to i32
      %cond3A_464 = arith.constant 0 : i32
      %cond3A_465 = arith.cmpi ne, %convert_element_type3A_463, %cond3A_464 : i32
      scf.if %cond3A_465 {
        %add3A_1047 = arith.constant 1 : i32
        %add3A_1048 = arith.addi %mul3A_277, %add3A_1047 : i32
        %add3A_1049 = arith.constant 8 : i32
        %add3A_1050 = arith.addi %add3A_1048, %add3A_1049 : i32
        %get3A_1051 = arith.index_cast %add3A_1050 : i32 to index
        %get3A_1052 = memref.load %arg6[%get3A_1051] : memref<256xi32, #tpu.memory_space<smem>>
        %shift_right_arithmetic3A_1053 = arith.constant 7 : i32
        %shift_right_arithmetic3A_1054 = arith.shrsi %get3A_1052, %shift_right_arithmetic3A_1053 : i32
        %mul3A_1055 = arith.constant 128 : i32
        %mul3A_1056 = arith.muli %shift_right_arithmetic3A_1054, %mul3A_1055 : i32
        %multiple_of3A_1057 = tpu.assume_multiple %mul3A_1056, 128 : i32
        %dma_start3A_1058 = arith.constant 1 : i32
        %dma_start3A_1059 = arith.constant 64 : i32
        %dma_start3A_1060 = arith.constant 0 : i32
        %dma_start3A_1061 = tpu.memref_slice %arg9[%dma_start3A_1059, %dma_start3A_1060] : memref<512x128xf32, #tpu.memory_space<vmem>> -> memref<64x128xf32, #tpu.memory_space<vmem>>
        %dma_start3A_1062 = arith.constant 0 : i32
        %dma_start3A_1063 = tpu.memref_slice %arg3[%dma_start3A_1062, %multiple_of3A_1057] : memref<64x1000000xf32, #tpu.memory_space<hbm>> -> memref<64x128xf32, #tpu.memory_space<hbm>>
        %dma_start3A_1064 = tpu.memref_slice %arg11[%dma_start3A_1058] : memref<8x!tpu.dma_semaphore, #tpu.memory_space<semaphore_mem>> -> memref<1x!tpu.dma_semaphore, #tpu.memory_space<semaphore_mem>>
        %dma_start3A_1065 = tpu.memref_squeeze %dma_start3A_1064 : memref<1x!tpu.dma_semaphore, #tpu.memory_space<semaphore_mem>> -> memref<!tpu.dma_semaphore, #tpu.memory_space<semaphore_mem>>
        %dma_start3A_1066 = arith.constant 64 : i32
        %dma_start3A_1067 = arith.constant 0 : i32
        %dma_start3A_1068 = tpu.memref_slice %arg9[%dma_start3A_1066, %dma_start3A_1067] : memref<512x128xf32, #tpu.memory_space<vmem>> -> memref<64x128xf32, #tpu.memory_space<vmem>>
        %dma_start3A_1069 = arith.constant 0 : i32
        %dma_start3A_1070 = tpu.memref_slice %arg3[%dma_start3A_1069, %multiple_of3A_1057] : memref<64x1000000xf32, #tpu.memory_space<hbm>> -> memref<64x128xf32, #tpu.memory_space<hbm>>
        tpu.enqueue_dma source(%dma_start3A_1070 : memref<64x128xf32, #tpu.memory_space<hbm>>) target(%dma_start3A_1068 : memref<64x128xf32, #tpu.memory_space<vmem>>) target_semaphore(%dma_start3A_1065 : memref<!tpu.dma_semaphore, #tpu.memory_space<semaphore_mem>>)
      } else {
      }
      %add3A_466 = arith.constant 2 : i32
      %add3A_467 = arith.addi %mul3A_277, %add3A_466 : i32
      %get3A_468 = arith.index_cast %add3A_467 : i32 to index
      %get3A_469 = memref.load %arg6[%get3A_468] : memref<256xi32, #tpu.memory_space<smem>>
      %dma_wait3A_470 = arith.constant 2 : i32
      %dma_wait3A_471 = arith.constant 128 : i32
      %dma_wait3A_472 = arith.constant 0 : i32
      %dma_wait3A_473 = tpu.memref_slice %arg9[%dma_wait3A_471, %dma_wait3A_472] : memref<512x128xf32, #tpu.memory_space<vmem>> -> memref<64x128xf32, #tpu.memory_space<vmem>>
      %dma_wait3A_474 = arith.constant 0 : i32
      %dma_wait3A_475 = arith.constant 0 : i32
      %dma_wait3A_476 = tpu.memref_slice %arg3[%dma_wait3A_474, %dma_wait3A_475] : memref<64x1000000xf32, #tpu.memory_space<hbm>> -> memref<64x128xf32, #tpu.memory_space<hbm>>
      %dma_wait3A_477 = tpu.memref_slice %arg11[%dma_wait3A_470] : memref<8x!tpu.dma_semaphore, #tpu.memory_space<semaphore_mem>> -> memref<1x!tpu.dma_semaphore, #tpu.memory_space<semaphore_mem>>
      %dma_wait3A_478 = tpu.memref_squeeze %dma_wait3A_477 : memref<1x!tpu.dma_semaphore, #tpu.memory_space<semaphore_mem>> -> memref<!tpu.dma_semaphore, #tpu.memory_space<semaphore_mem>>
      %dma_wait3A_479 = arith.constant 128 : i32
      %dma_wait3A_480 = arith.constant 0 : i32
      %dma_wait3A_481 = tpu.memref_slice %arg9[%dma_wait3A_479, %dma_wait3A_480] : memref<512x128xf32, #tpu.memory_space<vmem>> -> memref<64x128xf32, #tpu.memory_space<vmem>>
      %dma_wait3A_482 = arith.constant 0 : i32
      %dma_wait3A_483 = arith.constant 0 : i32
      %dma_wait3A_484 = tpu.memref_slice %arg3[%dma_wait3A_482, %dma_wait3A_483] : memref<64x1000000xf32, #tpu.memory_space<hbm>> -> memref<64x128xf32, #tpu.memory_space<hbm>>
      tpu.wait_dma2 semaphore(%dma_wait3A_478 : memref<!tpu.dma_semaphore, #tpu.memory_space<semaphore_mem>>) src(%dma_wait3A_484 : memref<64x128xf32, #tpu.memory_space<hbm>>) dst(%dma_wait3A_481 : memref<64x128xf32, #tpu.memory_space<vmem>>)
      %broadcast_in_dim3A_485 = arith.constant 0 : i32
      %broadcast_in_dim3A_486 = vector.broadcast %broadcast_in_dim3A_485 : i32 to vector<16xi32>
      %and3A_487 = arith.constant 127 : i32
      %and3A_488 = arith.andi %get3A_469, %and3A_487 : i32
      %add3A_489 = vector.broadcast %and3A_488 : i32 to vector<16xi32>
      %add3A_490 = arith.addi %broadcast_in_dim3A_486, %add3A_489 : vector<16xi32>
      %add3A_491 = arith.constant 128 : i32
      %add3A_492 = vector.broadcast %add3A_491 : i32 to vector<16xi32>
      %add3A_493 = arith.addi %add3A_492, %iota3A : vector<16xi32>
      %add3A_494 = arith.constant 0 : i32
      %add3A_495 = vector.broadcast %add3A_494 : i32 to vector<16xi32>
      %add3A_496 = arith.addi %add3A_493, %add3A_495 : vector<16xi32>
      %gather3A_497 = tpu.vector_load_idx %arg9[%add3A_496, %add3A_490] : memref<512x128xf32, #tpu.memory_space<vmem>>[vector<16xi32>, vector<16xi32>], vector<16xf32>,
      %get3A_498 = arith.index_cast %add3A_467 : i32 to index
      %get3A_499 = arith.constant 0 : index
      %get3A_500 = tpu.vector_load %arg8[%get3A_498, %get3A_499] {strides = array<i32>} : memref<256x64xf32, #tpu.memory_space<vmem>>, vector<16xf32>,
      %add3A_501 = arith.addf %gather3A_497, %get3A_500 : vector<16xf32>
      %and3A_502 = arith.constant 127 : i32
      %and3A_503 = arith.andi %add3A_467, %and3A_502 : i32
      %swap3A_504 = arith.index_cast %and3A_503 : i32 to index
      %swap3A_505 = arith.constant 0 : index
      %swap3A_506 = tpu.vector_load %arg10[%swap3A_504, %swap3A_505] {strides = array<i32>} : memref<128x64xf32, #tpu.memory_space<vmem>>, vector<16xf32>,
      tpu.vector_store %arg10[%swap3A_504, %swap3A_505], %add3A_501 {strides = array<i32>} : memref<128x64xf32, #tpu.memory_space<vmem>>, vector<16xf32>,
      %add3A_507 = arith.constant 128 : i32
      %add3A_508 = vector.broadcast %add3A_507 : i32 to vector<16xi32>
      %add3A_509 = arith.addi %add3A_508, %iota3A : vector<16xi32>
      %add3A_510 = arith.constant 16 : i32
      %add3A_511 = vector.broadcast %add3A_510 : i32 to vector<16xi32>
      %add3A_512 = arith.addi %add3A_509, %add3A_511 : vector<16xi32>
      %gather3A_513 = tpu.vector_load_idx %arg9[%add3A_512, %add3A_490] : memref<512x128xf32, #tpu.memory_space<vmem>>[vector<16xi32>, vector<16xi32>], vector<16xf32>,
      %get3A_514 = arith.index_cast %add3A_467 : i32 to index
      %get3A_515 = arith.constant 16 : index
      %get3A_516 = tpu.vector_load %arg8[%get3A_514, %get3A_515] {strides = array<i32>} : memref<256x64xf32, #tpu.memory_space<vmem>>, vector<16xf32>,
      %add3A_517 = arith.addf %gather3A_513, %get3A_516 : vector<16xf32>
      %and3A_518 = arith.constant 127 : i32
      %and3A_519 = arith.andi %add3A_467, %and3A_518 : i32
      %swap3A_520 = arith.index_cast %and3A_519 : i32 to index
      %swap3A_521 = arith.constant 16 : index
      %swap3A_522 = tpu.vector_load %arg10[%swap3A_520, %swap3A_521] {strides = array<i32>} : memref<128x64xf32, #tpu.memory_space<vmem>>, vector<16xf32>,
      tpu.vector_store %arg10[%swap3A_520, %swap3A_521], %add3A_517 {strides = array<i32>} : memref<128x64xf32, #tpu.memory_space<vmem>>, vector<16xf32>,
      %add3A_523 = arith.constant 128 : i32
      %add3A_524 = vector.broadcast %add3A_523 : i32 to vector<16xi32>
      %add3A_525 = arith.addi %add3A_524, %iota3A : vector<16xi32>
      %add3A_526 = arith.constant 32 : i32
      %add3A_527 = vector.broadcast %add3A_526 : i32 to vector<16xi32>
      %add3A_528 = arith.addi %add3A_525, %add3A_527 : vector<16xi32>
      %gather3A_529 = tpu.vector_load_idx %arg9[%add3A_528, %add3A_490] : memref<512x128xf32, #tpu.memory_space<vmem>>[vector<16xi32>, vector<16xi32>], vector<16xf32>,
      %get3A_530 = arith.index_cast %add3A_467 : i32 to index
      %get3A_531 = arith.constant 32 : index
      %get3A_532 = tpu.vector_load %arg8[%get3A_530, %get3A_531] {strides = array<i32>} : memref<256x64xf32, #tpu.memory_space<vmem>>, vector<16xf32>,
      %add3A_533 = arith.addf %gather3A_529, %get3A_532 : vector<16xf32>
      %and3A_534 = arith.constant 127 : i32
      %and3A_535 = arith.andi %add3A_467, %and3A_534 : i32
      %swap3A_536 = arith.index_cast %and3A_535 : i32 to index
      %swap3A_537 = arith.constant 32 : index
      %swap3A_538 = tpu.vector_load %arg10[%swap3A_536, %swap3A_537] {strides = array<i32>} : memref<128x64xf32, #tpu.memory_space<vmem>>, vector<16xf32>,
      tpu.vector_store %arg10[%swap3A_536, %swap3A_537], %add3A_533 {strides = array<i32>} : memref<128x64xf32, #tpu.memory_space<vmem>>, vector<16xf32>,
      %add3A_539 = arith.constant 128 : i32
      %add3A_540 = vector.broadcast %add3A_539 : i32 to vector<16xi32>
      %add3A_541 = arith.addi %add3A_540, %iota3A : vector<16xi32>
      %add3A_542 = arith.constant 48 : i32
      %add3A_543 = vector.broadcast %add3A_542 : i32 to vector<16xi32>
      %add3A_544 = arith.addi %add3A_541, %add3A_543 : vector<16xi32>
      %gather3A_545 = tpu.vector_load_idx %arg9[%add3A_544, %add3A_490] : memref<512x128xf32, #tpu.memory_space<vmem>>[vector<16xi32>, vector<16xi32>], vector<16xf32>,
      %get3A_546 = arith.index_cast %add3A_467 : i32 to index
      %get3A_547 = arith.constant 48 : index
      %get3A_548 = tpu.vector_load %arg8[%get3A_546, %get3A_547] {strides = array<i32>} : memref<256x64xf32, #tpu.memory_space<vmem>>, vector<16xf32>,
      %add3A_549 = arith.addf %gather3A_545, %get3A_548 : vector<16xf32>
      %and3A_550 = arith.constant 127 : i32
      %and3A_551 = arith.andi %add3A_467, %and3A_550 : i32
      %swap3A_552 = arith.index_cast %and3A_551 : i32 to index
      %swap3A_553 = arith.constant 48 : index
      %swap3A_554 = tpu.vector_load %arg10[%swap3A_552, %swap3A_553] {strides = array<i32>} : memref<128x64xf32, #tpu.memory_space<vmem>>, vector<16xf32>,
      tpu.vector_store %arg10[%swap3A_552, %swap3A_553], %add3A_549 {strides = array<i32>} : memref<128x64xf32, #tpu.memory_space<vmem>>, vector<16xf32>,
      %add3A_555 = arith.constant 2 : i32
      %add3A_556 = arith.addi %mul3A_277, %add3A_555 : i32
      %lt3A_557 = arith.constant 248 : i32
      %lt3A_558 = arith.cmpi slt, %add3A_556, %lt3A_557 : i32
      %convert_element_type3A_559 = arith.extui %lt3A_558 : i1 to i32
      %cond3A_560 = arith.constant 0 : i32
      %cond3A_561 = arith.cmpi ne, %convert_element_type3A_559, %cond3A_560 : i32
      scf.if %cond3A_561 {
        %add3A_1047 = arith.constant 2 : i32
        %add3A_1048 = arith.addi %mul3A_277, %add3A_1047 : i32
        %add3A_1049 = arith.constant 8 : i32
        %add3A_1050 = arith.addi %add3A_1048, %add3A_1049 : i32
        %get3A_1051 = arith.index_cast %add3A_1050 : i32 to index
        %get3A_1052 = memref.load %arg6[%get3A_1051] : memref<256xi32, #tpu.memory_space<smem>>
        %shift_right_arithmetic3A_1053 = arith.constant 7 : i32
        %shift_right_arithmetic3A_1054 = arith.shrsi %get3A_1052, %shift_right_arithmetic3A_1053 : i32
        %mul3A_1055 = arith.constant 128 : i32
        %mul3A_1056 = arith.muli %shift_right_arithmetic3A_1054, %mul3A_1055 : i32
        %multiple_of3A_1057 = tpu.assume_multiple %mul3A_1056, 128 : i32
        %dma_start3A_1058 = arith.constant 2 : i32
        %dma_start3A_1059 = arith.constant 128 : i32
        %dma_start3A_1060 = arith.constant 0 : i32
        %dma_start3A_1061 = tpu.memref_slice %arg9[%dma_start3A_1059, %dma_start3A_1060] : memref<512x128xf32, #tpu.memory_space<vmem>> -> memref<64x128xf32, #tpu.memory_space<vmem>>
        %dma_start3A_1062 = arith.constant 0 : i32
        %dma_start3A_1063 = tpu.memref_slice %arg3[%dma_start3A_1062, %multiple_of3A_1057] : memref<64x1000000xf32, #tpu.memory_space<hbm>> -> memref<64x128xf32, #tpu.memory_space<hbm>>
        %dma_start3A_1064 = tpu.memref_slice %arg11[%dma_start3A_1058] : memref<8x!tpu.dma_semaphore, #tpu.memory_space<semaphore_mem>> -> memref<1x!tpu.dma_semaphore, #tpu.memory_space<semaphore_mem>>
        %dma_start3A_1065 = tpu.memref_squeeze %dma_start3A_1064 : memref<1x!tpu.dma_semaphore, #tpu.memory_space<semaphore_mem>> -> memref<!tpu.dma_semaphore, #tpu.memory_space<semaphore_mem>>
        %dma_start3A_1066 = arith.constant 128 : i32
        %dma_start3A_1067 = arith.constant 0 : i32
        %dma_start3A_1068 = tpu.memref_slice %arg9[%dma_start3A_1066, %dma_start3A_1067] : memref<512x128xf32, #tpu.memory_space<vmem>> -> memref<64x128xf32, #tpu.memory_space<vmem>>
        %dma_start3A_1069 = arith.constant 0 : i32
        %dma_start3A_1070 = tpu.memref_slice %arg3[%dma_start3A_1069, %multiple_of3A_1057] : memref<64x1000000xf32, #tpu.memory_space<hbm>> -> memref<64x128xf32, #tpu.memory_space<hbm>>
        tpu.enqueue_dma source(%dma_start3A_1070 : memref<64x128xf32, #tpu.memory_space<hbm>>) target(%dma_start3A_1068 : memref<64x128xf32, #tpu.memory_space<vmem>>) target_semaphore(%dma_start3A_1065 : memref<!tpu.dma_semaphore, #tpu.memory_space<semaphore_mem>>)
      } else {
      }
      %add3A_562 = arith.constant 3 : i32
      %add3A_563 = arith.addi %mul3A_277, %add3A_562 : i32
      %get3A_564 = arith.index_cast %add3A_563 : i32 to index
      %get3A_565 = memref.load %arg6[%get3A_564] : memref<256xi32, #tpu.memory_space<smem>>
      %dma_wait3A_566 = arith.constant 3 : i32
      %dma_wait3A_567 = arith.constant 192 : i32
      %dma_wait3A_568 = arith.constant 0 : i32
      %dma_wait3A_569 = tpu.memref_slice %arg9[%dma_wait3A_567, %dma_wait3A_568] : memref<512x128xf32, #tpu.memory_space<vmem>> -> memref<64x128xf32, #tpu.memory_space<vmem>>
      %dma_wait3A_570 = arith.constant 0 : i32
      %dma_wait3A_571 = arith.constant 0 : i32
      %dma_wait3A_572 = tpu.memref_slice %arg3[%dma_wait3A_570, %dma_wait3A_571] : memref<64x1000000xf32, #tpu.memory_space<hbm>> -> memref<64x128xf32, #tpu.memory_space<hbm>>
      %dma_wait3A_573 = tpu.memref_slice %arg11[%dma_wait3A_566] : memref<8x!tpu.dma_semaphore, #tpu.memory_space<semaphore_mem>> -> memref<1x!tpu.dma_semaphore, #tpu.memory_space<semaphore_mem>>
      %dma_wait3A_574 = tpu.memref_squeeze %dma_wait3A_573 : memref<1x!tpu.dma_semaphore, #tpu.memory_space<semaphore_mem>> -> memref<!tpu.dma_semaphore, #tpu.memory_space<semaphore_mem>>
      %dma_wait3A_575 = arith.constant 192 : i32
      %dma_wait3A_576 = arith.constant 0 : i32
      %dma_wait3A_577 = tpu.memref_slice %arg9[%dma_wait3A_575, %dma_wait3A_576] : memref<512x128xf32, #tpu.memory_space<vmem>> -> memref<64x128xf32, #tpu.memory_space<vmem>>
      %dma_wait3A_578 = arith.constant 0 : i32
      %dma_wait3A_579 = arith.constant 0 : i32
      %dma_wait3A_580 = tpu.memref_slice %arg3[%dma_wait3A_578, %dma_wait3A_579] : memref<64x1000000xf32, #tpu.memory_space<hbm>> -> memref<64x128xf32, #tpu.memory_space<hbm>>
      tpu.wait_dma2 semaphore(%dma_wait3A_574 : memref<!tpu.dma_semaphore, #tpu.memory_space<semaphore_mem>>) src(%dma_wait3A_580 : memref<64x128xf32, #tpu.memory_space<hbm>>) dst(%dma_wait3A_577 : memref<64x128xf32, #tpu.memory_space<vmem>>)
      %broadcast_in_dim3A_581 = arith.constant 0 : i32
      %broadcast_in_dim3A_582 = vector.broadcast %broadcast_in_dim3A_581 : i32 to vector<16xi32>
      %and3A_583 = arith.constant 127 : i32
      %and3A_584 = arith.andi %get3A_565, %and3A_583 : i32
      %add3A_585 = vector.broadcast %and3A_584 : i32 to vector<16xi32>
      %add3A_586 = arith.addi %broadcast_in_dim3A_582, %add3A_585 : vector<16xi32>
      %add3A_587 = arith.constant 192 : i32
      %add3A_588 = vector.broadcast %add3A_587 : i32 to vector<16xi32>
      %add3A_589 = arith.addi %add3A_588, %iota3A : vector<16xi32>
      %add3A_590 = arith.constant 0 : i32
      %add3A_591 = vector.broadcast %add3A_590 : i32 to vector<16xi32>
      %add3A_592 = arith.addi %add3A_589, %add3A_591 : vector<16xi32>
      %gather3A_593 = tpu.vector_load_idx %arg9[%add3A_592, %add3A_586] : memref<512x128xf32, #tpu.memory_space<vmem>>[vector<16xi32>, vector<16xi32>], vector<16xf32>,
      %get3A_594 = arith.index_cast %add3A_563 : i32 to index
      %get3A_595 = arith.constant 0 : index
      %get3A_596 = tpu.vector_load %arg8[%get3A_594, %get3A_595] {strides = array<i32>} : memref<256x64xf32, #tpu.memory_space<vmem>>, vector<16xf32>,
      %add3A_597 = arith.addf %gather3A_593, %get3A_596 : vector<16xf32>
      %and3A_598 = arith.constant 127 : i32
      %and3A_599 = arith.andi %add3A_563, %and3A_598 : i32
      %swap3A_600 = arith.index_cast %and3A_599 : i32 to index
      %swap3A_601 = arith.constant 0 : index
      %swap3A_602 = tpu.vector_load %arg10[%swap3A_600, %swap3A_601] {strides = array<i32>} : memref<128x64xf32, #tpu.memory_space<vmem>>, vector<16xf32>,
      tpu.vector_store %arg10[%swap3A_600, %swap3A_601], %add3A_597 {strides = array<i32>} : memref<128x64xf32, #tpu.memory_space<vmem>>, vector<16xf32>,
      %add3A_603 = arith.constant 192 : i32
      %add3A_604 = vector.broadcast %add3A_603 : i32 to vector<16xi32>
      %add3A_605 = arith.addi %add3A_604, %iota3A : vector<16xi32>
      %add3A_606 = arith.constant 16 : i32
      %add3A_607 = vector.broadcast %add3A_606 : i32 to vector<16xi32>
      %add3A_608 = arith.addi %add3A_605, %add3A_607 : vector<16xi32>
      %gather3A_609 = tpu.vector_load_idx %arg9[%add3A_608, %add3A_586] : memref<512x128xf32, #tpu.memory_space<vmem>>[vector<16xi32>, vector<16xi32>], vector<16xf32>,
      %get3A_610 = arith.index_cast %add3A_563 : i32 to index
      %get3A_611 = arith.constant 16 : index
      %get3A_612 = tpu.vector_load %arg8[%get3A_610, %get3A_611] {strides = array<i32>} : memref<256x64xf32, #tpu.memory_space<vmem>>, vector<16xf32>,
      %add3A_613 = arith.addf %gather3A_609, %get3A_612 : vector<16xf32>
      %and3A_614 = arith.constant 127 : i32
      %and3A_615 = arith.andi %add3A_563, %and3A_614 : i32
      %swap3A_616 = arith.index_cast %and3A_615 : i32 to index
      %swap3A_617 = arith.constant 16 : index
      %swap3A_618 = tpu.vector_load %arg10[%swap3A_616, %swap3A_617] {strides = array<i32>} : memref<128x64xf32, #tpu.memory_space<vmem>>, vector<16xf32>,
      tpu.vector_store %arg10[%swap3A_616, %swap3A_617], %add3A_613 {strides = array<i32>} : memref<128x64xf32, #tpu.memory_space<vmem>>, vector<16xf32>,
      %add3A_619 = arith.constant 192 : i32
      %add3A_620 = vector.broadcast %add3A_619 : i32 to vector<16xi32>
      %add3A_621 = arith.addi %add3A_620, %iota3A : vector<16xi32>
      %add3A_622 = arith.constant 32 : i32
      %add3A_623 = vector.broadcast %add3A_622 : i32 to vector<16xi32>
      %add3A_624 = arith.addi %add3A_621, %add3A_623 : vector<16xi32>
      %gather3A_625 = tpu.vector_load_idx %arg9[%add3A_624, %add3A_586] : memref<512x128xf32, #tpu.memory_space<vmem>>[vector<16xi32>, vector<16xi32>], vector<16xf32>,
      %get3A_626 = arith.index_cast %add3A_563 : i32 to index
      %get3A_627 = arith.constant 32 : index
      %get3A_628 = tpu.vector_load %arg8[%get3A_626, %get3A_627] {strides = array<i32>} : memref<256x64xf32, #tpu.memory_space<vmem>>, vector<16xf32>,
      %add3A_629 = arith.addf %gather3A_625, %get3A_628 : vector<16xf32>
      %and3A_630 = arith.constant 127 : i32
      %and3A_631 = arith.andi %add3A_563, %and3A_630 : i32
      %swap3A_632 = arith.index_cast %and3A_631 : i32 to index
      %swap3A_633 = arith.constant 32 : index
      %swap3A_634 = tpu.vector_load %arg10[%swap3A_632, %swap3A_633] {strides = array<i32>} : memref<128x64xf32, #tpu.memory_space<vmem>>, vector<16xf32>,
      tpu.vector_store %arg10[%swap3A_632, %swap3A_633], %add3A_629 {strides = array<i32>} : memref<128x64xf32, #tpu.memory_space<vmem>>, vector<16xf32>,
      %add3A_635 = arith.constant 192 : i32
      %add3A_636 = vector.broadcast %add3A_635 : i32 to vector<16xi32>
      %add3A_637 = arith.addi %add3A_636, %iota3A : vector<16xi32>
      %add3A_638 = arith.constant 48 : i32
      %add3A_639 = vector.broadcast %add3A_638 : i32 to vector<16xi32>
      %add3A_640 = arith.addi %add3A_637, %add3A_639 : vector<16xi32>
      %gather3A_641 = tpu.vector_load_idx %arg9[%add3A_640, %add3A_586] : memref<512x128xf32, #tpu.memory_space<vmem>>[vector<16xi32>, vector<16xi32>], vector<16xf32>,
      %get3A_642 = arith.index_cast %add3A_563 : i32 to index
      %get3A_643 = arith.constant 48 : index
      %get3A_644 = tpu.vector_load %arg8[%get3A_642, %get3A_643] {strides = array<i32>} : memref<256x64xf32, #tpu.memory_space<vmem>>, vector<16xf32>,
      %add3A_645 = arith.addf %gather3A_641, %get3A_644 : vector<16xf32>
      %and3A_646 = arith.constant 127 : i32
      %and3A_647 = arith.andi %add3A_563, %and3A_646 : i32
      %swap3A_648 = arith.index_cast %and3A_647 : i32 to index
      %swap3A_649 = arith.constant 48 : index
      %swap3A_650 = tpu.vector_load %arg10[%swap3A_648, %swap3A_649] {strides = array<i32>} : memref<128x64xf32, #tpu.memory_space<vmem>>, vector<16xf32>,
      tpu.vector_store %arg10[%swap3A_648, %swap3A_649], %add3A_645 {strides = array<i32>} : memref<128x64xf32, #tpu.memory_space<vmem>>, vector<16xf32>,
      %add3A_651 = arith.constant 3 : i32
      %add3A_652 = arith.addi %mul3A_277, %add3A_651 : i32
      %lt3A_653 = arith.constant 248 : i32
      %lt3A_654 = arith.cmpi slt, %add3A_652, %lt3A_653 : i32
      %convert_element_type3A_655 = arith.extui %lt3A_654 : i1 to i32
      %cond3A_656 = arith.constant 0 : i32
      %cond3A_657 = arith.cmpi ne, %convert_element_type3A_655, %cond3A_656 : i32
      scf.if %cond3A_657 {
        %add3A_1047 = arith.constant 3 : i32
        %add3A_1048 = arith.addi %mul3A_277, %add3A_1047 : i32
        %add3A_1049 = arith.constant 8 : i32
        %add3A_1050 = arith.addi %add3A_1048, %add3A_1049 : i32
        %get3A_1051 = arith.index_cast %add3A_1050 : i32 to index
        %get3A_1052 = memref.load %arg6[%get3A_1051] : memref<256xi32, #tpu.memory_space<smem>>
        %shift_right_arithmetic3A_1053 = arith.constant 7 : i32
        %shift_right_arithmetic3A_1054 = arith.shrsi %get3A_1052, %shift_right_arithmetic3A_1053 : i32
        %mul3A_1055 = arith.constant 128 : i32
        %mul3A_1056 = arith.muli %shift_right_arithmetic3A_1054, %mul3A_1055 : i32
        %multiple_of3A_1057 = tpu.assume_multiple %mul3A_1056, 128 : i32
        %dma_start3A_1058 = arith.constant 3 : i32
        %dma_start3A_1059 = arith.constant 192 : i32
        %dma_start3A_1060 = arith.constant 0 : i32
        %dma_start3A_1061 = tpu.memref_slice %arg9[%dma_start3A_1059, %dma_start3A_1060] : memref<512x128xf32, #tpu.memory_space<vmem>> -> memref<64x128xf32, #tpu.memory_space<vmem>>
        %dma_start3A_1062 = arith.constant 0 : i32
        %dma_start3A_1063 = tpu.memref_slice %arg3[%dma_start3A_1062, %multiple_of3A_1057] : memref<64x1000000xf32, #tpu.memory_space<hbm>> -> memref<64x128xf32, #tpu.memory_space<hbm>>
        %dma_start3A_1064 = tpu.memref_slice %arg11[%dma_start3A_1058] : memref<8x!tpu.dma_semaphore, #tpu.memory_space<semaphore_mem>> -> memref<1x!tpu.dma_semaphore, #tpu.memory_space<semaphore_mem>>
        %dma_start3A_1065 = tpu.memref_squeeze %dma_start3A_1064 : memref<1x!tpu.dma_semaphore, #tpu.memory_space<semaphore_mem>> -> memref<!tpu.dma_semaphore, #tpu.memory_space<semaphore_mem>>
        %dma_start3A_1066 = arith.constant 192 : i32
        %dma_start3A_1067 = arith.constant 0 : i32
        %dma_start3A_1068 = tpu.memref_slice %arg9[%dma_start3A_1066, %dma_start3A_1067] : memref<512x128xf32, #tpu.memory_space<vmem>> -> memref<64x128xf32, #tpu.memory_space<vmem>>
        %dma_start3A_1069 = arith.constant 0 : i32
        %dma_start3A_1070 = tpu.memref_slice %arg3[%dma_start3A_1069, %multiple_of3A_1057] : memref<64x1000000xf32, #tpu.memory_space<hbm>> -> memref<64x128xf32, #tpu.memory_space<hbm>>
        tpu.enqueue_dma source(%dma_start3A_1070 : memref<64x128xf32, #tpu.memory_space<hbm>>) target(%dma_start3A_1068 : memref<64x128xf32, #tpu.memory_space<vmem>>) target_semaphore(%dma_start3A_1065 : memref<!tpu.dma_semaphore, #tpu.memory_space<semaphore_mem>>)
      } else {
      }
      %add3A_658 = arith.constant 4 : i32
      %add3A_659 = arith.addi %mul3A_277, %add3A_658 : i32
      %get3A_660 = arith.index_cast %add3A_659 : i32 to index
      %get3A_661 = memref.load %arg6[%get3A_660] : memref<256xi32, #tpu.memory_space<smem>>
      %dma_wait3A_662 = arith.constant 4 : i32
      %dma_wait3A_663 = arith.constant 256 : i32
      %dma_wait3A_664 = arith.constant 0 : i32
      %dma_wait3A_665 = tpu.memref_slice %arg9[%dma_wait3A_663, %dma_wait3A_664] : memref<512x128xf32, #tpu.memory_space<vmem>> -> memref<64x128xf32, #tpu.memory_space<vmem>>
      %dma_wait3A_666 = arith.constant 0 : i32
      %dma_wait3A_667 = arith.constant 0 : i32
      %dma_wait3A_668 = tpu.memref_slice %arg3[%dma_wait3A_666, %dma_wait3A_667] : memref<64x1000000xf32, #tpu.memory_space<hbm>> -> memref<64x128xf32, #tpu.memory_space<hbm>>
      %dma_wait3A_669 = tpu.memref_slice %arg11[%dma_wait3A_662] : memref<8x!tpu.dma_semaphore, #tpu.memory_space<semaphore_mem>> -> memref<1x!tpu.dma_semaphore, #tpu.memory_space<semaphore_mem>>
      %dma_wait3A_670 = tpu.memref_squeeze %dma_wait3A_669 : memref<1x!tpu.dma_semaphore, #tpu.memory_space<semaphore_mem>> -> memref<!tpu.dma_semaphore, #tpu.memory_space<semaphore_mem>>
      %dma_wait3A_671 = arith.constant 256 : i32
      %dma_wait3A_672 = arith.constant 0 : i32
      %dma_wait3A_673 = tpu.memref_slice %arg9[%dma_wait3A_671, %dma_wait3A_672] : memref<512x128xf32, #tpu.memory_space<vmem>> -> memref<64x128xf32, #tpu.memory_space<vmem>>
      %dma_wait3A_674 = arith.constant 0 : i32
      %dma_wait3A_675 = arith.constant 0 : i32
      %dma_wait3A_676 = tpu.memref_slice %arg3[%dma_wait3A_674, %dma_wait3A_675] : memref<64x1000000xf32, #tpu.memory_space<hbm>> -> memref<64x128xf32, #tpu.memory_space<hbm>>
      tpu.wait_dma2 semaphore(%dma_wait3A_670 : memref<!tpu.dma_semaphore, #tpu.memory_space<semaphore_mem>>) src(%dma_wait3A_676 : memref<64x128xf32, #tpu.memory_space<hbm>>) dst(%dma_wait3A_673 : memref<64x128xf32, #tpu.memory_space<vmem>>)
      %broadcast_in_dim3A_677 = arith.constant 0 : i32
      %broadcast_in_dim3A_678 = vector.broadcast %broadcast_in_dim3A_677 : i32 to vector<16xi32>
      %and3A_679 = arith.constant 127 : i32
      %and3A_680 = arith.andi %get3A_661, %and3A_679 : i32
      %add3A_681 = vector.broadcast %and3A_680 : i32 to vector<16xi32>
      %add3A_682 = arith.addi %broadcast_in_dim3A_678, %add3A_681 : vector<16xi32>
      %add3A_683 = arith.constant 256 : i32
      %add3A_684 = vector.broadcast %add3A_683 : i32 to vector<16xi32>
      %add3A_685 = arith.addi %add3A_684, %iota3A : vector<16xi32>
      %add3A_686 = arith.constant 0 : i32
      %add3A_687 = vector.broadcast %add3A_686 : i32 to vector<16xi32>
      %add3A_688 = arith.addi %add3A_685, %add3A_687 : vector<16xi32>
      %gather3A_689 = tpu.vector_load_idx %arg9[%add3A_688, %add3A_682] : memref<512x128xf32, #tpu.memory_space<vmem>>[vector<16xi32>, vector<16xi32>], vector<16xf32>,
      %get3A_690 = arith.index_cast %add3A_659 : i32 to index
      %get3A_691 = arith.constant 0 : index
      %get3A_692 = tpu.vector_load %arg8[%get3A_690, %get3A_691] {strides = array<i32>} : memref<256x64xf32, #tpu.memory_space<vmem>>, vector<16xf32>,
      %add3A_693 = arith.addf %gather3A_689, %get3A_692 : vector<16xf32>
      %and3A_694 = arith.constant 127 : i32
      %and3A_695 = arith.andi %add3A_659, %and3A_694 : i32
      %swap3A_696 = arith.index_cast %and3A_695 : i32 to index
      %swap3A_697 = arith.constant 0 : index
      %swap3A_698 = tpu.vector_load %arg10[%swap3A_696, %swap3A_697] {strides = array<i32>} : memref<128x64xf32, #tpu.memory_space<vmem>>, vector<16xf32>,
      tpu.vector_store %arg10[%swap3A_696, %swap3A_697], %add3A_693 {strides = array<i32>} : memref<128x64xf32, #tpu.memory_space<vmem>>, vector<16xf32>,
      %add3A_699 = arith.constant 256 : i32
      %add3A_700 = vector.broadcast %add3A_699 : i32 to vector<16xi32>
      %add3A_701 = arith.addi %add3A_700, %iota3A : vector<16xi32>
      %add3A_702 = arith.constant 16 : i32
      %add3A_703 = vector.broadcast %add3A_702 : i32 to vector<16xi32>
      %add3A_704 = arith.addi %add3A_701, %add3A_703 : vector<16xi32>
      %gather3A_705 = tpu.vector_load_idx %arg9[%add3A_704, %add3A_682] : memref<512x128xf32, #tpu.memory_space<vmem>>[vector<16xi32>, vector<16xi32>], vector<16xf32>,
      %get3A_706 = arith.index_cast %add3A_659 : i32 to index
      %get3A_707 = arith.constant 16 : index
      %get3A_708 = tpu.vector_load %arg8[%get3A_706, %get3A_707] {strides = array<i32>} : memref<256x64xf32, #tpu.memory_space<vmem>>, vector<16xf32>,
      %add3A_709 = arith.addf %gather3A_705, %get3A_708 : vector<16xf32>
      %and3A_710 = arith.constant 127 : i32
      %and3A_711 = arith.andi %add3A_659, %and3A_710 : i32
      %swap3A_712 = arith.index_cast %and3A_711 : i32 to index
      %swap3A_713 = arith.constant 16 : index
      %swap3A_714 = tpu.vector_load %arg10[%swap3A_712, %swap3A_713] {strides = array<i32>} : memref<128x64xf32, #tpu.memory_space<vmem>>, vector<16xf32>,
      tpu.vector_store %arg10[%swap3A_712, %swap3A_713], %add3A_709 {strides = array<i32>} : memref<128x64xf32, #tpu.memory_space<vmem>>, vector<16xf32>,
      %add3A_715 = arith.constant 256 : i32
      %add3A_716 = vector.broadcast %add3A_715 : i32 to vector<16xi32>
      %add3A_717 = arith.addi %add3A_716, %iota3A : vector<16xi32>
      %add3A_718 = arith.constant 32 : i32
      %add3A_719 = vector.broadcast %add3A_718 : i32 to vector<16xi32>
      %add3A_720 = arith.addi %add3A_717, %add3A_719 : vector<16xi32>
      %gather3A_721 = tpu.vector_load_idx %arg9[%add3A_720, %add3A_682] : memref<512x128xf32, #tpu.memory_space<vmem>>[vector<16xi32>, vector<16xi32>], vector<16xf32>,
      %get3A_722 = arith.index_cast %add3A_659 : i32 to index
      %get3A_723 = arith.constant 32 : index
      %get3A_724 = tpu.vector_load %arg8[%get3A_722, %get3A_723] {strides = array<i32>} : memref<256x64xf32, #tpu.memory_space<vmem>>, vector<16xf32>,
      %add3A_725 = arith.addf %gather3A_721, %get3A_724 : vector<16xf32>
      %and3A_726 = arith.constant 127 : i32
      %and3A_727 = arith.andi %add3A_659, %and3A_726 : i32
      %swap3A_728 = arith.index_cast %and3A_727 : i32 to index
      %swap3A_729 = arith.constant 32 : index
      %swap3A_730 = tpu.vector_load %arg10[%swap3A_728, %swap3A_729] {strides = array<i32>} : memref<128x64xf32, #tpu.memory_space<vmem>>, vector<16xf32>,
      tpu.vector_store %arg10[%swap3A_728, %swap3A_729], %add3A_725 {strides = array<i32>} : memref<128x64xf32, #tpu.memory_space<vmem>>, vector<16xf32>,
      %add3A_731 = arith.constant 256 : i32
      %add3A_732 = vector.broadcast %add3A_731 : i32 to vector<16xi32>
      %add3A_733 = arith.addi %add3A_732, %iota3A : vector<16xi32>
      %add3A_734 = arith.constant 48 : i32
      %add3A_735 = vector.broadcast %add3A_734 : i32 to vector<16xi32>
      %add3A_736 = arith.addi %add3A_733, %add3A_735 : vector<16xi32>
      %gather3A_737 = tpu.vector_load_idx %arg9[%add3A_736, %add3A_682] : memref<512x128xf32, #tpu.memory_space<vmem>>[vector<16xi32>, vector<16xi32>], vector<16xf32>,
      %get3A_738 = arith.index_cast %add3A_659 : i32 to index
      %get3A_739 = arith.constant 48 : index
      %get3A_740 = tpu.vector_load %arg8[%get3A_738, %get3A_739] {strides = array<i32>} : memref<256x64xf32, #tpu.memory_space<vmem>>, vector<16xf32>,
      %add3A_741 = arith.addf %gather3A_737, %get3A_740 : vector<16xf32>
      %and3A_742 = arith.constant 127 : i32
      %and3A_743 = arith.andi %add3A_659, %and3A_742 : i32
      %swap3A_744 = arith.index_cast %and3A_743 : i32 to index
      %swap3A_745 = arith.constant 48 : index
      %swap3A_746 = tpu.vector_load %arg10[%swap3A_744, %swap3A_745] {strides = array<i32>} : memref<128x64xf32, #tpu.memory_space<vmem>>, vector<16xf32>,
      tpu.vector_store %arg10[%swap3A_744, %swap3A_745], %add3A_741 {strides = array<i32>} : memref<128x64xf32, #tpu.memory_space<vmem>>, vector<16xf32>,
      %add3A_747 = arith.constant 4 : i32
      %add3A_748 = arith.addi %mul3A_277, %add3A_747 : i32
      %lt3A_749 = arith.constant 248 : i32
      %lt3A_750 = arith.cmpi slt, %add3A_748, %lt3A_749 : i32
      %convert_element_type3A_751 = arith.extui %lt3A_750 : i1 to i32
      %cond3A_752 = arith.constant 0 : i32
      %cond3A_753 = arith.cmpi ne, %convert_element_type3A_751, %cond3A_752 : i32
      scf.if %cond3A_753 {
        %add3A_1047 = arith.constant 4 : i32
        %add3A_1048 = arith.addi %mul3A_277, %add3A_1047 : i32
        %add3A_1049 = arith.constant 8 : i32
        %add3A_1050 = arith.addi %add3A_1048, %add3A_1049 : i32
        %get3A_1051 = arith.index_cast %add3A_1050 : i32 to index
        %get3A_1052 = memref.load %arg6[%get3A_1051] : memref<256xi32, #tpu.memory_space<smem>>
        %shift_right_arithmetic3A_1053 = arith.constant 7 : i32
        %shift_right_arithmetic3A_1054 = arith.shrsi %get3A_1052, %shift_right_arithmetic3A_1053 : i32
        %mul3A_1055 = arith.constant 128 : i32
        %mul3A_1056 = arith.muli %shift_right_arithmetic3A_1054, %mul3A_1055 : i32
        %multiple_of3A_1057 = tpu.assume_multiple %mul3A_1056, 128 : i32
        %dma_start3A_1058 = arith.constant 4 : i32
        %dma_start3A_1059 = arith.constant 256 : i32
        %dma_start3A_1060 = arith.constant 0 : i32
        %dma_start3A_1061 = tpu.memref_slice %arg9[%dma_start3A_1059, %dma_start3A_1060] : memref<512x128xf32, #tpu.memory_space<vmem>> -> memref<64x128xf32, #tpu.memory_space<vmem>>
        %dma_start3A_1062 = arith.constant 0 : i32
        %dma_start3A_1063 = tpu.memref_slice %arg3[%dma_start3A_1062, %multiple_of3A_1057] : memref<64x1000000xf32, #tpu.memory_space<hbm>> -> memref<64x128xf32, #tpu.memory_space<hbm>>
        %dma_start3A_1064 = tpu.memref_slice %arg11[%dma_start3A_1058] : memref<8x!tpu.dma_semaphore, #tpu.memory_space<semaphore_mem>> -> memref<1x!tpu.dma_semaphore, #tpu.memory_space<semaphore_mem>>
        %dma_start3A_1065 = tpu.memref_squeeze %dma_start3A_1064 : memref<1x!tpu.dma_semaphore, #tpu.memory_space<semaphore_mem>> -> memref<!tpu.dma_semaphore, #tpu.memory_space<semaphore_mem>>
        %dma_start3A_1066 = arith.constant 256 : i32
        %dma_start3A_1067 = arith.constant 0 : i32
        %dma_start3A_1068 = tpu.memref_slice %arg9[%dma_start3A_1066, %dma_start3A_1067] : memref<512x128xf32, #tpu.memory_space<vmem>> -> memref<64x128xf32, #tpu.memory_space<vmem>>
        %dma_start3A_1069 = arith.constant 0 : i32
        %dma_start3A_1070 = tpu.memref_slice %arg3[%dma_start3A_1069, %multiple_of3A_1057] : memref<64x1000000xf32, #tpu.memory_space<hbm>> -> memref<64x128xf32, #tpu.memory_space<hbm>>
        tpu.enqueue_dma source(%dma_start3A_1070 : memref<64x128xf32, #tpu.memory_space<hbm>>) target(%dma_start3A_1068 : memref<64x128xf32, #tpu.memory_space<vmem>>) target_semaphore(%dma_start3A_1065 : memref<!tpu.dma_semaphore, #tpu.memory_space<semaphore_mem>>)
      } else {
      }
      %add3A_754 = arith.constant 5 : i32
      %add3A_755 = arith.addi %mul3A_277, %add3A_754 : i32
      %get3A_756 = arith.index_cast %add3A_755 : i32 to index
      %get3A_757 = memref.load %arg6[%get3A_756] : memref<256xi32, #tpu.memory_space<smem>>
      %dma_wait3A_758 = arith.constant 5 : i32
      %dma_wait3A_759 = arith.constant 320 : i32
      %dma_wait3A_760 = arith.constant 0 : i32
      %dma_wait3A_761 = tpu.memref_slice %arg9[%dma_wait3A_759, %dma_wait3A_760] : memref<512x128xf32, #tpu.memory_space<vmem>> -> memref<64x128xf32, #tpu.memory_space<vmem>>
      %dma_wait3A_762 = arith.constant 0 : i32
      %dma_wait3A_763 = arith.constant 0 : i32
      %dma_wait3A_764 = tpu.memref_slice %arg3[%dma_wait3A_762, %dma_wait3A_763] : memref<64x1000000xf32, #tpu.memory_space<hbm>> -> memref<64x128xf32, #tpu.memory_space<hbm>>
      %dma_wait3A_765 = tpu.memref_slice %arg11[%dma_wait3A_758] : memref<8x!tpu.dma_semaphore, #tpu.memory_space<semaphore_mem>> -> memref<1x!tpu.dma_semaphore, #tpu.memory_space<semaphore_mem>>
      %dma_wait3A_766 = tpu.memref_squeeze %dma_wait3A_765 : memref<1x!tpu.dma_semaphore, #tpu.memory_space<semaphore_mem>> -> memref<!tpu.dma_semaphore, #tpu.memory_space<semaphore_mem>>
      %dma_wait3A_767 = arith.constant 320 : i32
      %dma_wait3A_768 = arith.constant 0 : i32
      %dma_wait3A_769 = tpu.memref_slice %arg9[%dma_wait3A_767, %dma_wait3A_768] : memref<512x128xf32, #tpu.memory_space<vmem>> -> memref<64x128xf32, #tpu.memory_space<vmem>>
      %dma_wait3A_770 = arith.constant 0 : i32
      %dma_wait3A_771 = arith.constant 0 : i32
      %dma_wait3A_772 = tpu.memref_slice %arg3[%dma_wait3A_770, %dma_wait3A_771] : memref<64x1000000xf32, #tpu.memory_space<hbm>> -> memref<64x128xf32, #tpu.memory_space<hbm>>
      tpu.wait_dma2 semaphore(%dma_wait3A_766 : memref<!tpu.dma_semaphore, #tpu.memory_space<semaphore_mem>>) src(%dma_wait3A_772 : memref<64x128xf32, #tpu.memory_space<hbm>>) dst(%dma_wait3A_769 : memref<64x128xf32, #tpu.memory_space<vmem>>)
      %broadcast_in_dim3A_773 = arith.constant 0 : i32
      %broadcast_in_dim3A_774 = vector.broadcast %broadcast_in_dim3A_773 : i32 to vector<16xi32>
      %and3A_775 = arith.constant 127 : i32
      %and3A_776 = arith.andi %get3A_757, %and3A_775 : i32
      %add3A_777 = vector.broadcast %and3A_776 : i32 to vector<16xi32>
      %add3A_778 = arith.addi %broadcast_in_dim3A_774, %add3A_777 : vector<16xi32>
      %add3A_779 = arith.constant 320 : i32
      %add3A_780 = vector.broadcast %add3A_779 : i32 to vector<16xi32>
      %add3A_781 = arith.addi %add3A_780, %iota3A : vector<16xi32>
      %add3A_782 = arith.constant 0 : i32
      %add3A_783 = vector.broadcast %add3A_782 : i32 to vector<16xi32>
      %add3A_784 = arith.addi %add3A_781, %add3A_783 : vector<16xi32>
      %gather3A_785 = tpu.vector_load_idx %arg9[%add3A_784, %add3A_778] : memref<512x128xf32, #tpu.memory_space<vmem>>[vector<16xi32>, vector<16xi32>], vector<16xf32>,
      %get3A_786 = arith.index_cast %add3A_755 : i32 to index
      %get3A_787 = arith.constant 0 : index
      %get3A_788 = tpu.vector_load %arg8[%get3A_786, %get3A_787] {strides = array<i32>} : memref<256x64xf32, #tpu.memory_space<vmem>>, vector<16xf32>,
      %add3A_789 = arith.addf %gather3A_785, %get3A_788 : vector<16xf32>
      %and3A_790 = arith.constant 127 : i32
      %and3A_791 = arith.andi %add3A_755, %and3A_790 : i32
      %swap3A_792 = arith.index_cast %and3A_791 : i32 to index
      %swap3A_793 = arith.constant 0 : index
      %swap3A_794 = tpu.vector_load %arg10[%swap3A_792, %swap3A_793] {strides = array<i32>} : memref<128x64xf32, #tpu.memory_space<vmem>>, vector<16xf32>,
      tpu.vector_store %arg10[%swap3A_792, %swap3A_793], %add3A_789 {strides = array<i32>} : memref<128x64xf32, #tpu.memory_space<vmem>>, vector<16xf32>,
      %add3A_795 = arith.constant 320 : i32
      %add3A_796 = vector.broadcast %add3A_795 : i32 to vector<16xi32>
      %add3A_797 = arith.addi %add3A_796, %iota3A : vector<16xi32>
      %add3A_798 = arith.constant 16 : i32
      %add3A_799 = vector.broadcast %add3A_798 : i32 to vector<16xi32>
      %add3A_800 = arith.addi %add3A_797, %add3A_799 : vector<16xi32>
      %gather3A_801 = tpu.vector_load_idx %arg9[%add3A_800, %add3A_778] : memref<512x128xf32, #tpu.memory_space<vmem>>[vector<16xi32>, vector<16xi32>], vector<16xf32>,
      %get3A_802 = arith.index_cast %add3A_755 : i32 to index
      %get3A_803 = arith.constant 16 : index
      %get3A_804 = tpu.vector_load %arg8[%get3A_802, %get3A_803] {strides = array<i32>} : memref<256x64xf32, #tpu.memory_space<vmem>>, vector<16xf32>,
      %add3A_805 = arith.addf %gather3A_801, %get3A_804 : vector<16xf32>
      %and3A_806 = arith.constant 127 : i32
      %and3A_807 = arith.andi %add3A_755, %and3A_806 : i32
      %swap3A_808 = arith.index_cast %and3A_807 : i32 to index
      %swap3A_809 = arith.constant 16 : index
      %swap3A_810 = tpu.vector_load %arg10[%swap3A_808, %swap3A_809] {strides = array<i32>} : memref<128x64xf32, #tpu.memory_space<vmem>>, vector<16xf32>,
      tpu.vector_store %arg10[%swap3A_808, %swap3A_809], %add3A_805 {strides = array<i32>} : memref<128x64xf32, #tpu.memory_space<vmem>>, vector<16xf32>,
      %add3A_811 = arith.constant 320 : i32
      %add3A_812 = vector.broadcast %add3A_811 : i32 to vector<16xi32>
      %add3A_813 = arith.addi %add3A_812, %iota3A : vector<16xi32>
      %add3A_814 = arith.constant 32 : i32
      %add3A_815 = vector.broadcast %add3A_814 : i32 to vector<16xi32>
      %add3A_816 = arith.addi %add3A_813, %add3A_815 : vector<16xi32>
      %gather3A_817 = tpu.vector_load_idx %arg9[%add3A_816, %add3A_778] : memref<512x128xf32, #tpu.memory_space<vmem>>[vector<16xi32>, vector<16xi32>], vector<16xf32>,
      %get3A_818 = arith.index_cast %add3A_755 : i32 to index
      %get3A_819 = arith.constant 32 : index
      %get3A_820 = tpu.vector_load %arg8[%get3A_818, %get3A_819] {strides = array<i32>} : memref<256x64xf32, #tpu.memory_space<vmem>>, vector<16xf32>,
      %add3A_821 = arith.addf %gather3A_817, %get3A_820 : vector<16xf32>
      %and3A_822 = arith.constant 127 : i32
      %and3A_823 = arith.andi %add3A_755, %and3A_822 : i32
      %swap3A_824 = arith.index_cast %and3A_823 : i32 to index
      %swap3A_825 = arith.constant 32 : index
      %swap3A_826 = tpu.vector_load %arg10[%swap3A_824, %swap3A_825] {strides = array<i32>} : memref<128x64xf32, #tpu.memory_space<vmem>>, vector<16xf32>,
      tpu.vector_store %arg10[%swap3A_824, %swap3A_825], %add3A_821 {strides = array<i32>} : memref<128x64xf32, #tpu.memory_space<vmem>>, vector<16xf32>,
      %add3A_827 = arith.constant 320 : i32
      %add3A_828 = vector.broadcast %add3A_827 : i32 to vector<16xi32>
      %add3A_829 = arith.addi %add3A_828, %iota3A : vector<16xi32>
      %add3A_830 = arith.constant 48 : i32
      %add3A_831 = vector.broadcast %add3A_830 : i32 to vector<16xi32>
      %add3A_832 = arith.addi %add3A_829, %add3A_831 : vector<16xi32>
      %gather3A_833 = tpu.vector_load_idx %arg9[%add3A_832, %add3A_778] : memref<512x128xf32, #tpu.memory_space<vmem>>[vector<16xi32>, vector<16xi32>], vector<16xf32>,
      %get3A_834 = arith.index_cast %add3A_755 : i32 to index
      %get3A_835 = arith.constant 48 : index
      %get3A_836 = tpu.vector_load %arg8[%get3A_834, %get3A_835] {strides = array<i32>} : memref<256x64xf32, #tpu.memory_space<vmem>>, vector<16xf32>,
      %add3A_837 = arith.addf %gather3A_833, %get3A_836 : vector<16xf32>
      %and3A_838 = arith.constant 127 : i32
      %and3A_839 = arith.andi %add3A_755, %and3A_838 : i32
      %swap3A_840 = arith.index_cast %and3A_839 : i32 to index
      %swap3A_841 = arith.constant 48 : index
      %swap3A_842 = tpu.vector_load %arg10[%swap3A_840, %swap3A_841] {strides = array<i32>} : memref<128x64xf32, #tpu.memory_space<vmem>>, vector<16xf32>,
      tpu.vector_store %arg10[%swap3A_840, %swap3A_841], %add3A_837 {strides = array<i32>} : memref<128x64xf32, #tpu.memory_space<vmem>>, vector<16xf32>,
      %add3A_843 = arith.constant 5 : i32
      %add3A_844 = arith.addi %mul3A_277, %add3A_843 : i32
      %lt3A_845 = arith.constant 248 : i32
      %lt3A_846 = arith.cmpi slt, %add3A_844, %lt3A_845 : i32
      %convert_element_type3A_847 = arith.extui %lt3A_846 : i1 to i32
      %cond3A_848 = arith.constant 0 : i32
      %cond3A_849 = arith.cmpi ne, %convert_element_type3A_847, %cond3A_848 : i32
      scf.if %cond3A_849 {
        %add3A_1047 = arith.constant 5 : i32
        %add3A_1048 = arith.addi %mul3A_277, %add3A_1047 : i32
        %add3A_1049 = arith.constant 8 : i32
        %add3A_1050 = arith.addi %add3A_1048, %add3A_1049 : i32
        %get3A_1051 = arith.index_cast %add3A_1050 : i32 to index
        %get3A_1052 = memref.load %arg6[%get3A_1051] : memref<256xi32, #tpu.memory_space<smem>>
        %shift_right_arithmetic3A_1053 = arith.constant 7 : i32
        %shift_right_arithmetic3A_1054 = arith.shrsi %get3A_1052, %shift_right_arithmetic3A_1053 : i32
        %mul3A_1055 = arith.constant 128 : i32
        %mul3A_1056 = arith.muli %shift_right_arithmetic3A_1054, %mul3A_1055 : i32
        %multiple_of3A_1057 = tpu.assume_multiple %mul3A_1056, 128 : i32
        %dma_start3A_1058 = arith.constant 5 : i32
        %dma_start3A_1059 = arith.constant 320 : i32
        %dma_start3A_1060 = arith.constant 0 : i32
        %dma_start3A_1061 = tpu.memref_slice %arg9[%dma_start3A_1059, %dma_start3A_1060] : memref<512x128xf32, #tpu.memory_space<vmem>> -> memref<64x128xf32, #tpu.memory_space<vmem>>
        %dma_start3A_1062 = arith.constant 0 : i32
        %dma_start3A_1063 = tpu.memref_slice %arg3[%dma_start3A_1062, %multiple_of3A_1057] : memref<64x1000000xf32, #tpu.memory_space<hbm>> -> memref<64x128xf32, #tpu.memory_space<hbm>>
        %dma_start3A_1064 = tpu.memref_slice %arg11[%dma_start3A_1058] : memref<8x!tpu.dma_semaphore, #tpu.memory_space<semaphore_mem>> -> memref<1x!tpu.dma_semaphore, #tpu.memory_space<semaphore_mem>>
        %dma_start3A_1065 = tpu.memref_squeeze %dma_start3A_1064 : memref<1x!tpu.dma_semaphore, #tpu.memory_space<semaphore_mem>> -> memref<!tpu.dma_semaphore, #tpu.memory_space<semaphore_mem>>
        %dma_start3A_1066 = arith.constant 320 : i32
        %dma_start3A_1067 = arith.constant 0 : i32
        %dma_start3A_1068 = tpu.memref_slice %arg9[%dma_start3A_1066, %dma_start3A_1067] : memref<512x128xf32, #tpu.memory_space<vmem>> -> memref<64x128xf32, #tpu.memory_space<vmem>>
        %dma_start3A_1069 = arith.constant 0 : i32
        %dma_start3A_1070 = tpu.memref_slice %arg3[%dma_start3A_1069, %multiple_of3A_1057] : memref<64x1000000xf32, #tpu.memory_space<hbm>> -> memref<64x128xf32, #tpu.memory_space<hbm>>
        tpu.enqueue_dma source(%dma_start3A_1070 : memref<64x128xf32, #tpu.memory_space<hbm>>) target(%dma_start3A_1068 : memref<64x128xf32, #tpu.memory_space<vmem>>) target_semaphore(%dma_start3A_1065 : memref<!tpu.dma_semaphore, #tpu.memory_space<semaphore_mem>>)
      } else {
      }
      %add3A_850 = arith.constant 6 : i32
      %add3A_851 = arith.addi %mul3A_277, %add3A_850 : i32
      %get3A_852 = arith.index_cast %add3A_851 : i32 to index
      %get3A_853 = memref.load %arg6[%get3A_852] : memref<256xi32, #tpu.memory_space<smem>>
      %dma_wait3A_854 = arith.constant 6 : i32
      %dma_wait3A_855 = arith.constant 384 : i32
      %dma_wait3A_856 = arith.constant 0 : i32
      %dma_wait3A_857 = tpu.memref_slice %arg9[%dma_wait3A_855, %dma_wait3A_856] : memref<512x128xf32, #tpu.memory_space<vmem>> -> memref<64x128xf32, #tpu.memory_space<vmem>>
      %dma_wait3A_858 = arith.constant 0 : i32
      %dma_wait3A_859 = arith.constant 0 : i32
      %dma_wait3A_860 = tpu.memref_slice %arg3[%dma_wait3A_858, %dma_wait3A_859] : memref<64x1000000xf32, #tpu.memory_space<hbm>> -> memref<64x128xf32, #tpu.memory_space<hbm>>
      %dma_wait3A_861 = tpu.memref_slice %arg11[%dma_wait3A_854] : memref<8x!tpu.dma_semaphore, #tpu.memory_space<semaphore_mem>> -> memref<1x!tpu.dma_semaphore, #tpu.memory_space<semaphore_mem>>
      %dma_wait3A_862 = tpu.memref_squeeze %dma_wait3A_861 : memref<1x!tpu.dma_semaphore, #tpu.memory_space<semaphore_mem>> -> memref<!tpu.dma_semaphore, #tpu.memory_space<semaphore_mem>>
      %dma_wait3A_863 = arith.constant 384 : i32
      %dma_wait3A_864 = arith.constant 0 : i32
      %dma_wait3A_865 = tpu.memref_slice %arg9[%dma_wait3A_863, %dma_wait3A_864] : memref<512x128xf32, #tpu.memory_space<vmem>> -> memref<64x128xf32, #tpu.memory_space<vmem>>
      %dma_wait3A_866 = arith.constant 0 : i32
      %dma_wait3A_867 = arith.constant 0 : i32
      %dma_wait3A_868 = tpu.memref_slice %arg3[%dma_wait3A_866, %dma_wait3A_867] : memref<64x1000000xf32, #tpu.memory_space<hbm>> -> memref<64x128xf32, #tpu.memory_space<hbm>>
      tpu.wait_dma2 semaphore(%dma_wait3A_862 : memref<!tpu.dma_semaphore, #tpu.memory_space<semaphore_mem>>) src(%dma_wait3A_868 : memref<64x128xf32, #tpu.memory_space<hbm>>) dst(%dma_wait3A_865 : memref<64x128xf32, #tpu.memory_space<vmem>>)
      %broadcast_in_dim3A_869 = arith.constant 0 : i32
      %broadcast_in_dim3A_870 = vector.broadcast %broadcast_in_dim3A_869 : i32 to vector<16xi32>
      %and3A_871 = arith.constant 127 : i32
      %and3A_872 = arith.andi %get3A_853, %and3A_871 : i32
      %add3A_873 = vector.broadcast %and3A_872 : i32 to vector<16xi32>
      %add3A_874 = arith.addi %broadcast_in_dim3A_870, %add3A_873 : vector<16xi32>
      %add3A_875 = arith.constant 384 : i32
      %add3A_876 = vector.broadcast %add3A_875 : i32 to vector<16xi32>
      %add3A_877 = arith.addi %add3A_876, %iota3A : vector<16xi32>
      %add3A_878 = arith.constant 0 : i32
      %add3A_879 = vector.broadcast %add3A_878 : i32 to vector<16xi32>
      %add3A_880 = arith.addi %add3A_877, %add3A_879 : vector<16xi32>
      %gather3A_881 = tpu.vector_load_idx %arg9[%add3A_880, %add3A_874] : memref<512x128xf32, #tpu.memory_space<vmem>>[vector<16xi32>, vector<16xi32>], vector<16xf32>,
      %get3A_882 = arith.index_cast %add3A_851 : i32 to index
      %get3A_883 = arith.constant 0 : index
      %get3A_884 = tpu.vector_load %arg8[%get3A_882, %get3A_883] {strides = array<i32>} : memref<256x64xf32, #tpu.memory_space<vmem>>, vector<16xf32>,
      %add3A_885 = arith.addf %gather3A_881, %get3A_884 : vector<16xf32>
      %and3A_886 = arith.constant 127 : i32
      %and3A_887 = arith.andi %add3A_851, %and3A_886 : i32
      %swap3A_888 = arith.index_cast %and3A_887 : i32 to index
      %swap3A_889 = arith.constant 0 : index
      %swap3A_890 = tpu.vector_load %arg10[%swap3A_888, %swap3A_889] {strides = array<i32>} : memref<128x64xf32, #tpu.memory_space<vmem>>, vector<16xf32>,
      tpu.vector_store %arg10[%swap3A_888, %swap3A_889], %add3A_885 {strides = array<i32>} : memref<128x64xf32, #tpu.memory_space<vmem>>, vector<16xf32>,
      %add3A_891 = arith.constant 384 : i32
      %add3A_892 = vector.broadcast %add3A_891 : i32 to vector<16xi32>
      %add3A_893 = arith.addi %add3A_892, %iota3A : vector<16xi32>
      %add3A_894 = arith.constant 16 : i32
      %add3A_895 = vector.broadcast %add3A_894 : i32 to vector<16xi32>
      %add3A_896 = arith.addi %add3A_893, %add3A_895 : vector<16xi32>
      %gather3A_897 = tpu.vector_load_idx %arg9[%add3A_896, %add3A_874] : memref<512x128xf32, #tpu.memory_space<vmem>>[vector<16xi32>, vector<16xi32>], vector<16xf32>,
      %get3A_898 = arith.index_cast %add3A_851 : i32 to index
      %get3A_899 = arith.constant 16 : index
      %get3A_900 = tpu.vector_load %arg8[%get3A_898, %get3A_899] {strides = array<i32>} : memref<256x64xf32, #tpu.memory_space<vmem>>, vector<16xf32>,
      %add3A_901 = arith.addf %gather3A_897, %get3A_900 : vector<16xf32>
      %and3A_902 = arith.constant 127 : i32
      %and3A_903 = arith.andi %add3A_851, %and3A_902 : i32
      %swap3A_904 = arith.index_cast %and3A_903 : i32 to index
      %swap3A_905 = arith.constant 16 : index
      %swap3A_906 = tpu.vector_load %arg10[%swap3A_904, %swap3A_905] {strides = array<i32>} : memref<128x64xf32, #tpu.memory_space<vmem>>, vector<16xf32>,
      tpu.vector_store %arg10[%swap3A_904, %swap3A_905], %add3A_901 {strides = array<i32>} : memref<128x64xf32, #tpu.memory_space<vmem>>, vector<16xf32>,
      %add3A_907 = arith.constant 384 : i32
      %add3A_908 = vector.broadcast %add3A_907 : i32 to vector<16xi32>
      %add3A_909 = arith.addi %add3A_908, %iota3A : vector<16xi32>
      %add3A_910 = arith.constant 32 : i32
      %add3A_911 = vector.broadcast %add3A_910 : i32 to vector<16xi32>
      %add3A_912 = arith.addi %add3A_909, %add3A_911 : vector<16xi32>
      %gather3A_913 = tpu.vector_load_idx %arg9[%add3A_912, %add3A_874] : memref<512x128xf32, #tpu.memory_space<vmem>>[vector<16xi32>, vector<16xi32>], vector<16xf32>,
      %get3A_914 = arith.index_cast %add3A_851 : i32 to index
      %get3A_915 = arith.constant 32 : index
      %get3A_916 = tpu.vector_load %arg8[%get3A_914, %get3A_915] {strides = array<i32>} : memref<256x64xf32, #tpu.memory_space<vmem>>, vector<16xf32>,
      %add3A_917 = arith.addf %gather3A_913, %get3A_916 : vector<16xf32>
      %and3A_918 = arith.constant 127 : i32
      %and3A_919 = arith.andi %add3A_851, %and3A_918 : i32
      %swap3A_920 = arith.index_cast %and3A_919 : i32 to index
      %swap3A_921 = arith.constant 32 : index
      %swap3A_922 = tpu.vector_load %arg10[%swap3A_920, %swap3A_921] {strides = array<i32>} : memref<128x64xf32, #tpu.memory_space<vmem>>, vector<16xf32>,
      tpu.vector_store %arg10[%swap3A_920, %swap3A_921], %add3A_917 {strides = array<i32>} : memref<128x64xf32, #tpu.memory_space<vmem>>, vector<16xf32>,
      %add3A_923 = arith.constant 384 : i32
      %add3A_924 = vector.broadcast %add3A_923 : i32 to vector<16xi32>
      %add3A_925 = arith.addi %add3A_924, %iota3A : vector<16xi32>
      %add3A_926 = arith.constant 48 : i32
      %add3A_927 = vector.broadcast %add3A_926 : i32 to vector<16xi32>
      %add3A_928 = arith.addi %add3A_925, %add3A_927 : vector<16xi32>
      %gather3A_929 = tpu.vector_load_idx %arg9[%add3A_928, %add3A_874] : memref<512x128xf32, #tpu.memory_space<vmem>>[vector<16xi32>, vector<16xi32>], vector<16xf32>,
      %get3A_930 = arith.index_cast %add3A_851 : i32 to index
      %get3A_931 = arith.constant 48 : index
      %get3A_932 = tpu.vector_load %arg8[%get3A_930, %get3A_931] {strides = array<i32>} : memref<256x64xf32, #tpu.memory_space<vmem>>, vector<16xf32>,
      %add3A_933 = arith.addf %gather3A_929, %get3A_932 : vector<16xf32>
      %and3A_934 = arith.constant 127 : i32
      %and3A_935 = arith.andi %add3A_851, %and3A_934 : i32
      %swap3A_936 = arith.index_cast %and3A_935 : i32 to index
      %swap3A_937 = arith.constant 48 : index
      %swap3A_938 = tpu.vector_load %arg10[%swap3A_936, %swap3A_937] {strides = array<i32>} : memref<128x64xf32, #tpu.memory_space<vmem>>, vector<16xf32>,
      tpu.vector_store %arg10[%swap3A_936, %swap3A_937], %add3A_933 {strides = array<i32>} : memref<128x64xf32, #tpu.memory_space<vmem>>, vector<16xf32>,
      %add3A_939 = arith.constant 6 : i32
      %add3A_940 = arith.addi %mul3A_277, %add3A_939 : i32
      %lt3A_941 = arith.constant 248 : i32
      %lt3A_942 = arith.cmpi slt, %add3A_940, %lt3A_941 : i32
      %convert_element_type3A_943 = arith.extui %lt3A_942 : i1 to i32
      %cond3A_944 = arith.constant 0 : i32
      %cond3A_945 = arith.cmpi ne, %convert_element_type3A_943, %cond3A_944 : i32
      scf.if %cond3A_945 {
        %add3A_1047 = arith.constant 6 : i32
        %add3A_1048 = arith.addi %mul3A_277, %add3A_1047 : i32
        %add3A_1049 = arith.constant 8 : i32
        %add3A_1050 = arith.addi %add3A_1048, %add3A_1049 : i32
        %get3A_1051 = arith.index_cast %add3A_1050 : i32 to index
        %get3A_1052 = memref.load %arg6[%get3A_1051] : memref<256xi32, #tpu.memory_space<smem>>
        %shift_right_arithmetic3A_1053 = arith.constant 7 : i32
        %shift_right_arithmetic3A_1054 = arith.shrsi %get3A_1052, %shift_right_arithmetic3A_1053 : i32
        %mul3A_1055 = arith.constant 128 : i32
        %mul3A_1056 = arith.muli %shift_right_arithmetic3A_1054, %mul3A_1055 : i32
        %multiple_of3A_1057 = tpu.assume_multiple %mul3A_1056, 128 : i32
        %dma_start3A_1058 = arith.constant 6 : i32
        %dma_start3A_1059 = arith.constant 384 : i32
        %dma_start3A_1060 = arith.constant 0 : i32
        %dma_start3A_1061 = tpu.memref_slice %arg9[%dma_start3A_1059, %dma_start3A_1060] : memref<512x128xf32, #tpu.memory_space<vmem>> -> memref<64x128xf32, #tpu.memory_space<vmem>>
        %dma_start3A_1062 = arith.constant 0 : i32
        %dma_start3A_1063 = tpu.memref_slice %arg3[%dma_start3A_1062, %multiple_of3A_1057] : memref<64x1000000xf32, #tpu.memory_space<hbm>> -> memref<64x128xf32, #tpu.memory_space<hbm>>
        %dma_start3A_1064 = tpu.memref_slice %arg11[%dma_start3A_1058] : memref<8x!tpu.dma_semaphore, #tpu.memory_space<semaphore_mem>> -> memref<1x!tpu.dma_semaphore, #tpu.memory_space<semaphore_mem>>
        %dma_start3A_1065 = tpu.memref_squeeze %dma_start3A_1064 : memref<1x!tpu.dma_semaphore, #tpu.memory_space<semaphore_mem>> -> memref<!tpu.dma_semaphore, #tpu.memory_space<semaphore_mem>>
        %dma_start3A_1066 = arith.constant 384 : i32
        %dma_start3A_1067 = arith.constant 0 : i32
        %dma_start3A_1068 = tpu.memref_slice %arg9[%dma_start3A_1066, %dma_start3A_1067] : memref<512x128xf32, #tpu.memory_space<vmem>> -> memref<64x128xf32, #tpu.memory_space<vmem>>
        %dma_start3A_1069 = arith.constant 0 : i32
        %dma_start3A_1070 = tpu.memref_slice %arg3[%dma_start3A_1069, %multiple_of3A_1057] : memref<64x1000000xf32, #tpu.memory_space<hbm>> -> memref<64x128xf32, #tpu.memory_space<hbm>>
        tpu.enqueue_dma source(%dma_start3A_1070 : memref<64x128xf32, #tpu.memory_space<hbm>>) target(%dma_start3A_1068 : memref<64x128xf32, #tpu.memory_space<vmem>>) target_semaphore(%dma_start3A_1065 : memref<!tpu.dma_semaphore, #tpu.memory_space<semaphore_mem>>)
      } else {
      }
      %add3A_946 = arith.constant 7 : i32
      %add3A_947 = arith.addi %mul3A_277, %add3A_946 : i32
      %get3A_948 = arith.index_cast %add3A_947 : i32 to index
      %get3A_949 = memref.load %arg6[%get3A_948] : memref<256xi32, #tpu.memory_space<smem>>
      %dma_wait3A_950 = arith.constant 7 : i32
      %dma_wait3A_951 = arith.constant 448 : i32
      %dma_wait3A_952 = arith.constant 0 : i32
      %dma_wait3A_953 = tpu.memref_slice %arg9[%dma_wait3A_951, %dma_wait3A_952] : memref<512x128xf32, #tpu.memory_space<vmem>> -> memref<64x128xf32, #tpu.memory_space<vmem>>
      %dma_wait3A_954 = arith.constant 0 : i32
      %dma_wait3A_955 = arith.constant 0 : i32
      %dma_wait3A_956 = tpu.memref_slice %arg3[%dma_wait3A_954, %dma_wait3A_955] : memref<64x1000000xf32, #tpu.memory_space<hbm>> -> memref<64x128xf32, #tpu.memory_space<hbm>>
      %dma_wait3A_957 = tpu.memref_slice %arg11[%dma_wait3A_950] : memref<8x!tpu.dma_semaphore, #tpu.memory_space<semaphore_mem>> -> memref<1x!tpu.dma_semaphore, #tpu.memory_space<semaphore_mem>>
      %dma_wait3A_958 = tpu.memref_squeeze %dma_wait3A_957 : memref<1x!tpu.dma_semaphore, #tpu.memory_space<semaphore_mem>> -> memref<!tpu.dma_semaphore, #tpu.memory_space<semaphore_mem>>
      %dma_wait3A_959 = arith.constant 448 : i32
      %dma_wait3A_960 = arith.constant 0 : i32
      %dma_wait3A_961 = tpu.memref_slice %arg9[%dma_wait3A_959, %dma_wait3A_960] : memref<512x128xf32, #tpu.memory_space<vmem>> -> memref<64x128xf32, #tpu.memory_space<vmem>>
      %dma_wait3A_962 = arith.constant 0 : i32
      %dma_wait3A_963 = arith.constant 0 : i32
      %dma_wait3A_964 = tpu.memref_slice %arg3[%dma_wait3A_962, %dma_wait3A_963] : memref<64x1000000xf32, #tpu.memory_space<hbm>> -> memref<64x128xf32, #tpu.memory_space<hbm>>
      tpu.wait_dma2 semaphore(%dma_wait3A_958 : memref<!tpu.dma_semaphore, #tpu.memory_space<semaphore_mem>>) src(%dma_wait3A_964 : memref<64x128xf32, #tpu.memory_space<hbm>>) dst(%dma_wait3A_961 : memref<64x128xf32, #tpu.memory_space<vmem>>)
      %broadcast_in_dim3A_965 = arith.constant 0 : i32
      %broadcast_in_dim3A_966 = vector.broadcast %broadcast_in_dim3A_965 : i32 to vector<16xi32>
      %and3A_967 = arith.constant 127 : i32
      %and3A_968 = arith.andi %get3A_949, %and3A_967 : i32
      %add3A_969 = vector.broadcast %and3A_968 : i32 to vector<16xi32>
      %add3A_970 = arith.addi %broadcast_in_dim3A_966, %add3A_969 : vector<16xi32>
      %add3A_971 = arith.constant 448 : i32
      %add3A_972 = vector.broadcast %add3A_971 : i32 to vector<16xi32>
      %add3A_973 = arith.addi %add3A_972, %iota3A : vector<16xi32>
      %add3A_974 = arith.constant 0 : i32
      %add3A_975 = vector.broadcast %add3A_974 : i32 to vector<16xi32>
      %add3A_976 = arith.addi %add3A_973, %add3A_975 : vector<16xi32>
      %gather3A_977 = tpu.vector_load_idx %arg9[%add3A_976, %add3A_970] : memref<512x128xf32, #tpu.memory_space<vmem>>[vector<16xi32>, vector<16xi32>], vector<16xf32>,
      %get3A_978 = arith.index_cast %add3A_947 : i32 to index
      %get3A_979 = arith.constant 0 : index
      %get3A_980 = tpu.vector_load %arg8[%get3A_978, %get3A_979] {strides = array<i32>} : memref<256x64xf32, #tpu.memory_space<vmem>>, vector<16xf32>,
      %add3A_981 = arith.addf %gather3A_977, %get3A_980 : vector<16xf32>
      %and3A_982 = arith.constant 127 : i32
      %and3A_983 = arith.andi %add3A_947, %and3A_982 : i32
      %swap3A_984 = arith.index_cast %and3A_983 : i32 to index
      %swap3A_985 = arith.constant 0 : index
      %swap3A_986 = tpu.vector_load %arg10[%swap3A_984, %swap3A_985] {strides = array<i32>} : memref<128x64xf32, #tpu.memory_space<vmem>>, vector<16xf32>,
      tpu.vector_store %arg10[%swap3A_984, %swap3A_985], %add3A_981 {strides = array<i32>} : memref<128x64xf32, #tpu.memory_space<vmem>>, vector<16xf32>,
      %add3A_987 = arith.constant 448 : i32
      %add3A_988 = vector.broadcast %add3A_987 : i32 to vector<16xi32>
      %add3A_989 = arith.addi %add3A_988, %iota3A : vector<16xi32>
      %add3A_990 = arith.constant 16 : i32
      %add3A_991 = vector.broadcast %add3A_990 : i32 to vector<16xi32>
      %add3A_992 = arith.addi %add3A_989, %add3A_991 : vector<16xi32>
      %gather3A_993 = tpu.vector_load_idx %arg9[%add3A_992, %add3A_970] : memref<512x128xf32, #tpu.memory_space<vmem>>[vector<16xi32>, vector<16xi32>], vector<16xf32>,
      %get3A_994 = arith.index_cast %add3A_947 : i32 to index
      %get3A_995 = arith.constant 16 : index
      %get3A_996 = tpu.vector_load %arg8[%get3A_994, %get3A_995] {strides = array<i32>} : memref<256x64xf32, #tpu.memory_space<vmem>>, vector<16xf32>,
      %add3A_997 = arith.addf %gather3A_993, %get3A_996 : vector<16xf32>
      %and3A_998 = arith.constant 127 : i32
      %and3A_999 = arith.andi %add3A_947, %and3A_998 : i32
      %swap3A_1000 = arith.index_cast %and3A_999 : i32 to index
      %swap3A_1001 = arith.constant 16 : index
      %swap3A_1002 = tpu.vector_load %arg10[%swap3A_1000, %swap3A_1001] {strides = array<i32>} : memref<128x64xf32, #tpu.memory_space<vmem>>, vector<16xf32>,
      tpu.vector_store %arg10[%swap3A_1000, %swap3A_1001], %add3A_997 {strides = array<i32>} : memref<128x64xf32, #tpu.memory_space<vmem>>, vector<16xf32>,
      %add3A_1003 = arith.constant 448 : i32
      %add3A_1004 = vector.broadcast %add3A_1003 : i32 to vector<16xi32>
      %add3A_1005 = arith.addi %add3A_1004, %iota3A : vector<16xi32>
      %add3A_1006 = arith.constant 32 : i32
      %add3A_1007 = vector.broadcast %add3A_1006 : i32 to vector<16xi32>
      %add3A_1008 = arith.addi %add3A_1005, %add3A_1007 : vector<16xi32>
      %gather3A_1009 = tpu.vector_load_idx %arg9[%add3A_1008, %add3A_970] : memref<512x128xf32, #tpu.memory_space<vmem>>[vector<16xi32>, vector<16xi32>], vector<16xf32>,
      %get3A_1010 = arith.index_cast %add3A_947 : i32 to index
      %get3A_1011 = arith.constant 32 : index
      %get3A_1012 = tpu.vector_load %arg8[%get3A_1010, %get3A_1011] {strides = array<i32>} : memref<256x64xf32, #tpu.memory_space<vmem>>, vector<16xf32>,
      %add3A_1013 = arith.addf %gather3A_1009, %get3A_1012 : vector<16xf32>
      %and3A_1014 = arith.constant 127 : i32
      %and3A_1015 = arith.andi %add3A_947, %and3A_1014 : i32
      %swap3A_1016 = arith.index_cast %and3A_1015 : i32 to index
      %swap3A_1017 = arith.constant 32 : index
      %swap3A_1018 = tpu.vector_load %arg10[%swap3A_1016, %swap3A_1017] {strides = array<i32>} : memref<128x64xf32, #tpu.memory_space<vmem>>, vector<16xf32>,
      tpu.vector_store %arg10[%swap3A_1016, %swap3A_1017], %add3A_1013 {strides = array<i32>} : memref<128x64xf32, #tpu.memory_space<vmem>>, vector<16xf32>,
      %add3A_1019 = arith.constant 448 : i32
      %add3A_1020 = vector.broadcast %add3A_1019 : i32 to vector<16xi32>
      %add3A_1021 = arith.addi %add3A_1020, %iota3A : vector<16xi32>
      %add3A_1022 = arith.constant 48 : i32
      %add3A_1023 = vector.broadcast %add3A_1022 : i32 to vector<16xi32>
      %add3A_1024 = arith.addi %add3A_1021, %add3A_1023 : vector<16xi32>
      %gather3A_1025 = tpu.vector_load_idx %arg9[%add3A_1024, %add3A_970] : memref<512x128xf32, #tpu.memory_space<vmem>>[vector<16xi32>, vector<16xi32>], vector<16xf32>,
      %get3A_1026 = arith.index_cast %add3A_947 : i32 to index
      %get3A_1027 = arith.constant 48 : index
      %get3A_1028 = tpu.vector_load %arg8[%get3A_1026, %get3A_1027] {strides = array<i32>} : memref<256x64xf32, #tpu.memory_space<vmem>>, vector<16xf32>,
      %add3A_1029 = arith.addf %gather3A_1025, %get3A_1028 : vector<16xf32>
      %and3A_1030 = arith.constant 127 : i32
      %and3A_1031 = arith.andi %add3A_947, %and3A_1030 : i32
      %swap3A_1032 = arith.index_cast %and3A_1031 : i32 to index
      %swap3A_1033 = arith.constant 48 : index
      %swap3A_1034 = tpu.vector_load %arg10[%swap3A_1032, %swap3A_1033] {strides = array<i32>} : memref<128x64xf32, #tpu.memory_space<vmem>>, vector<16xf32>,
      tpu.vector_store %arg10[%swap3A_1032, %swap3A_1033], %add3A_1029 {strides = array<i32>} : memref<128x64xf32, #tpu.memory_space<vmem>>, vector<16xf32>,
      %add3A_1035 = arith.constant 7 : i32
      %add3A_1036 = arith.addi %mul3A_277, %add3A_1035 : i32
      %lt3A_1037 = arith.constant 248 : i32
      %lt3A_1038 = arith.cmpi slt, %add3A_1036, %lt3A_1037 : i32
      %convert_element_type3A_1039 = arith.extui %lt3A_1038 : i1 to i32
      %cond3A_1040 = arith.constant 0 : i32
      %cond3A_1041 = arith.cmpi ne, %convert_element_type3A_1039, %cond3A_1040 : i32
      scf.if %cond3A_1041 {
        %add3A_1047 = arith.constant 7 : i32
        %add3A_1048 = arith.addi %mul3A_277, %add3A_1047 : i32
        %add3A_1049 = arith.constant 8 : i32
        %add3A_1050 = arith.addi %add3A_1048, %add3A_1049 : i32
        %get3A_1051 = arith.index_cast %add3A_1050 : i32 to index
        %get3A_1052 = memref.load %arg6[%get3A_1051] : memref<256xi32, #tpu.memory_space<smem>>
        %shift_right_arithmetic3A_1053 = arith.constant 7 : i32
        %shift_right_arithmetic3A_1054 = arith.shrsi %get3A_1052, %shift_right_arithmetic3A_1053 : i32
        %mul3A_1055 = arith.constant 128 : i32
        %mul3A_1056 = arith.muli %shift_right_arithmetic3A_1054, %mul3A_1055 : i32
        %multiple_of3A_1057 = tpu.assume_multiple %mul3A_1056, 128 : i32
        %dma_start3A_1058 = arith.constant 7 : i32
        %dma_start3A_1059 = arith.constant 448 : i32
        %dma_start3A_1060 = arith.constant 0 : i32
        %dma_start3A_1061 = tpu.memref_slice %arg9[%dma_start3A_1059, %dma_start3A_1060] : memref<512x128xf32, #tpu.memory_space<vmem>> -> memref<64x128xf32, #tpu.memory_space<vmem>>
        %dma_start3A_1062 = arith.constant 0 : i32
        %dma_start3A_1063 = tpu.memref_slice %arg3[%dma_start3A_1062, %multiple_of3A_1057] : memref<64x1000000xf32, #tpu.memory_space<hbm>> -> memref<64x128xf32, #tpu.memory_space<hbm>>
        %dma_start3A_1064 = tpu.memref_slice %arg11[%dma_start3A_1058] : memref<8x!tpu.dma_semaphore, #tpu.memory_space<semaphore_mem>> -> memref<1x!tpu.dma_semaphore, #tpu.memory_space<semaphore_mem>>
        %dma_start3A_1065 = tpu.memref_squeeze %dma_start3A_1064 : memref<1x!tpu.dma_semaphore, #tpu.memory_space<semaphore_mem>> -> memref<!tpu.dma_semaphore, #tpu.memory_space<semaphore_mem>>
        %dma_start3A_1066 = arith.constant 448 : i32
        %dma_start3A_1067 = arith.constant 0 : i32
        %dma_start3A_1068 = tpu.memref_slice %arg9[%dma_start3A_1066, %dma_start3A_1067] : memref<512x128xf32, #tpu.memory_space<vmem>> -> memref<64x128xf32, #tpu.memory_space<vmem>>
        %dma_start3A_1069 = arith.constant 0 : i32
        %dma_start3A_1070 = tpu.memref_slice %arg3[%dma_start3A_1069, %multiple_of3A_1057] : memref<64x1000000xf32, #tpu.memory_space<hbm>> -> memref<64x128xf32, #tpu.memory_space<hbm>>
        tpu.enqueue_dma source(%dma_start3A_1070 : memref<64x128xf32, #tpu.memory_space<hbm>>) target(%dma_start3A_1068 : memref<64x128xf32, #tpu.memory_space<vmem>>) target_semaphore(%dma_start3A_1065 : memref<!tpu.dma_semaphore, #tpu.memory_space<semaphore_mem>>)
      } else {
      }
      %eq3A_1042 = arith.constant 15 : i32
      %eq3A_1043 = arith.cmpi eq, %scan3A_275, %eq3A_1042 : i32
      %convert_element_type3A_1044 = arith.extui %eq3A_1043 : i1 to i32
      %cond3A_1045 = arith.constant 0 : i32
      %cond3A_1046 = arith.cmpi ne, %convert_element_type3A_1044, %cond3A_1045 : i32
      scf.if %cond3A_1046 {
        "tpu.region"() ({
          %run_scoped3A = tpu.sem_alloc : memref<!tpu.dma_semaphore, #tpu.memory_space<semaphore_mem>>
          %dma_start3A_1047 = arith.constant 0 : i32
          %dma_start3A_1048 = tpu.memref_slice %arg5[%mul3A_2, %dma_start3A_1047] : memref<8192x64xf32, #tpu.memory_space<hbm>> -> memref<128x64xf32, #tpu.memory_space<hbm>>
          %dma_start3A_1049 = arith.constant 0 : i32
          %dma_start3A_1050 = tpu.memref_slice %arg5[%mul3A_2, %dma_start3A_1049] : memref<8192x64xf32, #tpu.memory_space<hbm>> -> memref<128x64xf32, #tpu.memory_space<hbm>>
          tpu.enqueue_dma source(%arg10 : memref<128x64xf32, #tpu.memory_space<vmem>>) target(%dma_start3A_1050 : memref<128x64xf32, #tpu.memory_space<hbm>>) target_semaphore(%run_scoped3A : memref<!tpu.dma_semaphore, #tpu.memory_space<semaphore_mem>>)
          %dma_wait3A_1051 = arith.constant 0 : i32
          %dma_wait3A_1052 = tpu.memref_slice %arg5[%mul3A_2, %dma_wait3A_1051] : memref<8192x64xf32, #tpu.memory_space<hbm>> -> memref<128x64xf32, #tpu.memory_space<hbm>>
          %dma_wait3A_1053 = arith.constant 0 : i32
          %dma_wait3A_1054 = tpu.memref_slice %arg5[%mul3A_2, %dma_wait3A_1053] : memref<8192x64xf32, #tpu.memory_space<hbm>> -> memref<128x64xf32, #tpu.memory_space<hbm>>
          tpu.wait_dma2 semaphore(%run_scoped3A : memref<!tpu.dma_semaphore, #tpu.memory_space<semaphore_mem>>) src(%arg10 : memref<128x64xf32, #tpu.memory_space<vmem>>) dst(%dma_wait3A_1054 : memref<128x64xf32, #tpu.memory_space<hbm>>)
          tpu.yield
        }) : () -> ()
      } else {
      }
    }
    %scan3A_272 = arith.constant 32 : i32
    %add3A_273 = arith.constant 128 : i32
    %add3A_274 = arith.addi %mul3A_2, %add3A_273 : i32
    "tpu.region"() ({
      %run_scoped3A = tpu.sem_alloc : memref<!tpu.dma_semaphore, #tpu.memory_space<semaphore_mem>>
      %dma_start3A_275 = arith.constant 0 : i32
      %dma_start3A_276 = tpu.memref_slice %arg5[%add3A_274, %dma_start3A_275] : memref<8192x64xf32, #tpu.memory_space<hbm>> -> memref<128x64xf32, #tpu.memory_space<hbm>>
      %dma_start3A_277 = arith.constant 0 : i32
      %dma_start3A_278 = tpu.memref_slice %arg5[%add3A_274, %dma_start3A_277] : memref<8192x64xf32, #tpu.memory_space<hbm>> -> memref<128x64xf32, #tpu.memory_space<hbm>>
      tpu.enqueue_dma source(%arg10 : memref<128x64xf32, #tpu.memory_space<vmem>>) target(%dma_start3A_278 : memref<128x64xf32, #tpu.memory_space<hbm>>) target_semaphore(%run_scoped3A : memref<!tpu.dma_semaphore, #tpu.memory_space<semaphore_mem>>)
      %dma_wait3A_279 = arith.constant 0 : i32
      %dma_wait3A_280 = tpu.memref_slice %arg5[%add3A_274, %dma_wait3A_279] : memref<8192x64xf32, #tpu.memory_space<hbm>> -> memref<128x64xf32, #tpu.memory_space<hbm>>
      %dma_wait3A_281 = arith.constant 0 : i32
      %dma_wait3A_282 = tpu.memref_slice %arg5[%add3A_274, %dma_wait3A_281] : memref<8192x64xf32, #tpu.memory_space<hbm>> -> memref<128x64xf32, #tpu.memory_space<hbm>>
      tpu.wait_dma2 semaphore(%run_scoped3A : memref<!tpu.dma_semaphore, #tpu.memory_space<semaphore_mem>>) src(%arg10 : memref<128x64xf32, #tpu.memory_space<vmem>>) dst(%dma_wait3A_282 : memref<128x64xf32, #tpu.memory_space<hbm>>)
      tpu.yield
    }) : () -> ()
    return
  }
}

</mosaic_0001>

<sc_bundles>
// kernel: kernel.3.cloned.1.call-start
scs
__scs_entry_jumppad:
0x0: {  	(pc) =	sbr.rel $0x88, $3  }
0x1: {  	(tag) =	ssettag $0x0;
	lr =	simm.s32 $0x1  }
0x2: {  	[smem:$0x3F9E] =	sst lr;
	_ =	strace $0xD0000000  }
0x3: {  	_ = 	snop  }
0x4: {  	_ = 	snop  }
0x5: {  	_ = 	snop  }
0x6: {  	_ = 	snop  }
0x7: {  	_ = 	snop  }
__scs_overlays_trampoline_lowered:
0x8: {  	[smem:$0x3FAD] =	sst s0  }
0x9: {  	[smem:$0x3FAE] =	sst s1  }
0xa: {  	[smem:$0x3FAF] =	sst s2  }
0xb: {  	[smem:$0x3FB0] =	sst s3  }
0xc: {  	[smem:$0x3FB1] =	sst s4  }
0xd: {  	[smem:$0x3FB2] =	sst s5  }
0xe: {  	[smem:$0x3FB3] =	sst s6  }
0xf: {  	[smem:$0x3FB4] =	sst s7  }
0x10: {  	[smem:$0x3FB5] =	sst s8  }
0x11: {  	[smem:$0x3FB6] =	sst s9;
	s0 =	simm.s32 @!p0 $0x0  }
0x12: {  	s1 =	sld [smem:$0x3F9C];
	s0 =	simm.s32 @p0 $0x1  }
0x13: {  	[smem:$0x3FB7] =	sst s0;
	s0 =	simm.s32 @!p1 $0x0  }
0x14: {  	s2 =	sld [smem:$0x3F9B];
	s0 =	simm.s32 @p1 $0x1  }
0x15: {  	[smem:$0x3FB8] =	sst s0;
	s0 =	simm.s32 @!p2 $0x0  }
0x16: {  	s3 =	sld [smem:$0x3FDB];
	s0 =	simm.s32 @p2 $0x1  }
0x17: {  	s4 =	simm.s32 $0x1BF5;
	[smem:$0x3FBA] =	sst s0  }
0x18: {  	s0 =	sld [smem:$0x3F9D];
	_ =	swait.ge [sflag:s4], $0x0  }
0x19: {  	s7 =	sld [smem:$0x3F9E]  }
0x1a: {  	s8 =	sadd.s32 $0xFFFFE003, lr  }
0x1b: {  	s9 =	sadd.s32 $0xFFFFFEF7, lr;
	s5 =	simm.s32 $0xFFFFFFFF;
	p2 =	slt.u32 s8, $0xFFFFF086  }
0x1c: {  	p1 =	slt.u32 s9, $0xF7A;
	s5 =	simm.s32 @!p2 $0x0  }
0x1d: {  	s5 =	simm.s32 @p1 $0x1;
	p0 =	seq.s32 s7, s2  }
0x1e: {  	s7 =	smul.u32 @!p0 $0xF7A, s2;
	p2 =	seq.s32 @!p0 s5, $0x0  }
0x1f: {  	s9 =	smul.u32 $0xF7A, s1;
	s8 =	simm.s32 @!p0 $0x1BF5;
	p2 =	por !p2, p0  }
0x20: {  	[sflag:s8] =	ssyncset.s32 @!p0 $0xFFFFF086;
	s6 =	sadd.s32 @!p0 s3, s7;
	s7 =	simm.s32 @!p0 $0x108  }
0x21: {  	s3 =	sadd.s32 s3, s9;
	s6 =	sadd.s32 @!p0 $0x88, s6;
	s7 =	simm.s32 @p2 $0x1082  }
0x22: {  	[simem:s7], [sflag:s8] =	dma.local @!p0 [hbm:s6], $0xF7A  }
0x23: {  	s9 =	sor.u32 $0xD0000000, s2;
	s6 =	simm.s32 $0x108;
	_ =	swait.ge @!p0 [sflag:s8], $0x0  }
0x24: {  	s3 =	sadd.s32 $0x88, s3;
	s6 =	simm.s32 @!p1 $0x1082;
	[sflag:s4] =	ssyncset.s32 $0xFFFFF086  }
0x25: {  	[simem:s6], [sflag:s4] =	dma.local [hbm:s3], $0xF7A  }
0x26: {  	[smem:$0x3F9E] =	sst s1;
	(tag) =	ssettag s2;
	_ =	strace s9  }
0x27: {  	s1 =	sld [smem:$0x3FAE]  }
0x28: {  	s2 =	sld [smem:$0x3FAF]  }
0x29: {  	s4 =	sld [smem:$0x3FB1]  }
0x2a: {  	p0 =	seq.s32 s5, $0x0;
	s5 =	sld [smem:$0x3FB2]  }
0x2b: {  	s6 =	sld [smem:$0x3FB3]  }
0x2c: {  	s7 =	sld [smem:$0x3FB4]  }
0x2d: {  	s3 =	simm.s32 $0x108;
	s8 =	sld [smem:$0x3FB5]  }
0x2e: {  	s3 =	simm.s32 @!p0 $0x1082;
	s9 =	sld [smem:$0x3FB6]  }
0x2f: {  	lr =	sadd.s32 s0, s3;
	s0 =	sld [smem:$0x3FAD]  }
0x30: {  	s3 =	sld [smem:$0x3FB0]  }
0x31: {  	[smem:$0x3FB9] =	sst s10  }
0x32: {  	s10 =	sld [smem:$0x3FB7];
	_ =	sdelay $0x3  }
0x33: {  	p0 =	seq.s32 s10, $0x1;
	s10 =	sld [smem:$0x3FB9];
	_ =	sdelay $0x3  }
0x34: {  	[smem:$0x3FB9] =	sst s10  }
0x35: {  	s10 =	sld [smem:$0x3FB8];
	_ =	sdelay $0x3  }
0x36: {  	p1 =	seq.s32 s10, $0x1;
	s10 =	sld [smem:$0x3FB9];
	_ =	sdelay $0x3  }
0x37: {  	[smem:$0x3FB9] =	sst s10  }
0x38: {  	s10 =	sld [smem:$0x3FBA]  }
0x39: {  	_ = 	snop;
	(pc) =	sbr.ind lr, $3  }
0x3a: {  	_ = 	snop  }
0x3b: {  	_ = 	snop  }
0x3c: {  	p2 =	seq.s32 s10, $0x1;
	s10 =	sld [smem:$0x3FB9]  }
0x3d: {  	_ =	shalt  }
0x3e: {  	_ =	shalt  }
0x3f: {  	_ =	shalt  }
0x40: {  	_ =	shalt  }
0x41: {  	_ =	shalt  }
0x42: {  	_ =	shalt  }
0x43: {  	_ =	shalt  }
0x44: {  	_ =	shalt  }
0x45: {  	_ =	shalt  }
0x46: {  	_ =	shalt  }
0x47: {  	_ =	shalt  }
0x48: {  	_ =	shalt  }
0x49: {  	_ =	shalt  }
0x4a: {  	_ =	shalt  }
0x4b: {  	_ =	shalt  }
0x4c: {  	_ =	shalt  }
0x4d: {  	_ =	shalt  }
0x4e: {  	_ =	shalt  }
0x4f: {  	_ =	shalt  }
0x50: {  	_ =	shalt  }
0x51: {  	_ =	shalt  }
0x52: {  	_ =	shalt  }
0x53: {  	_ =	shalt  }
0x54: {  	_ =	shalt  }
0x55: {  	_ =	shalt  }
0x56: {  	_ =	shalt  }
0x57: {  	_ =	shalt  }
0x58: {  	_ =	shalt  }
0x59: {  	_ =	shalt  }
0x5a: {  	_ =	shalt  }
0x5b: {  	_ =	shalt  }
0x5c: {  	_ =	shalt  }
0x5d: {  	_ =	shalt  }
0x5e: {  	_ =	shalt  }
0x5f: {  	_ =	shalt  }
0x60: {  	_ =	shalt  }
0x61: {  	_ =	shalt  }
0x62: {  	_ =	shalt  }
0x63: {  	_ =	shalt  }
0x64: {  	_ =	shalt  }
0x65: {  	_ =	shalt  }
0x66: {  	_ =	shalt  }
0x67: {  	_ =	shalt  }
0x68: {  	_ =	shalt  }
0x69: {  	_ =	shalt  }
0x6a: {  	_ =	shalt  }
0x6b: {  	_ =	shalt  }
0x6c: {  	_ =	shalt  }
0x6d: {  	_ =	shalt  }
0x6e: {  	_ =	shalt  }
0x6f: {  	_ =	shalt  }
0x70: {  	_ =	shalt  }
0x71: {  	_ =	shalt  }
0x72: {  	_ =	shalt  }
0x73: {  	_ =	shalt  }
0x74: {  	_ =	shalt  }
0x75: {  	_ =	shalt  }
0x76: {  	_ =	shalt  }
0x77: {  	_ =	shalt  }
0x78: {  	_ =	shalt  }
0x79: {  	_ =	shalt  }
0x7a: {  	_ =	shalt  }
0x7b: {  	_ =	shalt  }
0x7c: {  	_ =	shalt  }
0x7d: {  	_ =	shalt  }
0x7e: {  	_ =	shalt  }
0x7f: {  	_ =	shalt  }
0x80: {  	_ =	shalt  }
0x81: {  	_ =	shalt  }
0x82: {  	_ =	shalt  }
0x83: {  	_ =	shalt  }
0x84: {  	_ =	shalt  }
0x85: {  	_ =	shalt  }
0x86: {  	_ =	shalt  }
0x87: {  	_ =	shalt  }
.Lfunc_end0:
.L_simem_size_0:
called_computation_lowered:
.L_overlay_start_0:
0x88: {  	s2 =	sld [smem:$0x3FD9]  }
0x89: {  	s3 =	sld [smem:$0x3FFE];
	_ =	sdelay $0x1  }
0x8a: {  	s1 =	srdreg.scid  }
0x8b: {  	s0 =	sand.u32 $0x1, s1  }
0x8c: {  	s17 =	sshll.u32 s0, $0xA;
	s2 =	sadd.s32 s3, s2  }
0x8d: {  	s2 =	sadd.s32 s2, s17  }
0x8e: {  	[smem:$0x3FC5] =	sst s2  }
0x8f: {  	_ = 	snop  }
0x90: {  	s2 =	sld [smem:$0x3FC8]  }
0x91: {  	s18 =	sld [smem:$0x3FD0];
	(tm) =	ssettm $0x1  }
0x92: {  	s4 =	sld [smem:$0x3FFB];
	_ =	sdelay $0x3  }
0x93: {  	_ =	strace s4  }
0x94: {  	s4 =	sld [smem:$0x3FFC];
	_ =	sdelay $0x3  }
0x95: {  	_ =	strace s4  }
0x96: {  	s4 =	sld [smem:$0x3FFD];
	_ =	sdelay $0x3  }
0x97: {  	_ =	strace s4  }
0x98: {  	_ =	strace $0x8FFFFFFF  }
0x99: {  	s19 =	sld [smem:$0x3FDB];
	_ =	sdelay $0x1  }
0x9a: {  	s5 =	simm.s32 $_scs_section_size  }
0x9b: {  	s6 =	simm.s32 $_size__tile_overlayer_lowered;
	s7 =	simm.s32 $_tile_overlayer_lowered  }
0x9c: {  	s22 =	simm.s32 $0x1BFF;
	s21 =	sshll.u32 s7, $0x1;
	s4 =	sadd.s32 s5, s19  }
0x9d: {  	s8 =	simm.s32 $0x0;
	s20 =	sshll.u32 s6, $0x1;
	s6 =	sadd.s32 s21, s4  }
0x9e: {  	[timem:s8], [sflag:s22] =	dma.local [hbm:s6], s20  }
0x9f: {  	_ =	swait.ge [sflag:s22], s20  }
0xa0: {  	s5 =	ssub.s32 $0x0, s20;
	[sflag:s22] =	ssyncset.done $0x0  }
0xa1: {  	[sflag:s22] =	ssyncadd.s32 s5;
	_ =	sdelay $0x1  }
0xa2: {  	s23 =	simm.s32 $0x1B8B  }
0xa3: {  	_ =	swait.ge [sflag:s23], $0x1  }
0xa4: {  	[sflag:s23] =	ssyncset.done $0x0  }
0xa5: {  	s25 =	simm.s32 $0x1B8E;
	s24 =	sld [smem:$0x3FFE];
	[sflag:s23] =	ssyncadd.s32 $0xFFFFFFFF  }
0xa6: {  	s26 =	simm.s32 $execute0_lowered;
	[smem:$0x3FD2] =	sst s25  }
0xa7: {  	s6 =	sshll.u32 s26, $0x1;
	_ =	strace $0x80000046;
	[dreg:$0x1] =	wrdreg $0xFFFFFFFF  }
0xa8: {  	s28 =	simm.s32 $_size_execute0_lowered;
	s4 =	sadd.s32 s4, s6;
	[dreg:$0x0] =	wrdreg $0x0  }
0xa9: {  	s6 =	sshll.u32 s28, $0x1;
	[dreg:$0x2] =	wrdreg s4  }
0xaa: {  	[dreg:$0x3] =	wrdreg s6  }
0xab: {  	[dreg:$0x4] =	wrdreg $0xC0  }
0xac: {  	_ =	task [dreg:s8], $0x5FFFF  }
0xad: {  	[dreg:$0x1] =	wrdreg $0xFFFFFFFF  }
0xae: {  	[dreg:$0x0] =	wrdreg $0x60  }
0xaf: {  	[dreg:$0x2] =	wrdreg s24  }
0xb0: {  	[dreg:$0x3] =	wrdreg s2  }
0xb1: {  	[dreg:$0x4] =	wrdreg s18  }
0xb2: {  	[dreg:$0x5] =	wrdreg $0x9  }
0xb3: {  	_ =	task.clear_ibuf [dreg:s8], $0x6FFFF;
	_ =	strace $0x90000046  }
0xb4: {  	s29 =	simm.s32 $0x9;
	_ =	strace $0x80000048  }
0xb5: {  	_ =	swait.ge [sflag:s29], $0x1  }
0xb6: {  	[sflag:s29] =	ssyncadd.s32 $0xFFFFFFFF  }
0xb7: {  	_ =	strace $0x90000048  }
0xb8: {  	_ =	sfence  }
0xb9: {  	s30 =	sld [smem:$0x0];
	_ =	sdelay $0x2  }
0xba: {  	s31 =	sshll.u32 s1, $0xD;
	s1 =	sshrl.u32 s1, $0x2  }
0xbb: {  	s3 =	sand.u32 $0x4000, s31;
	s1 =	sadd.s32 s1, s30  }
0xbc: {  	s0 =	sor.u32 s3, s0;
	s1 =	sshll.u32 s1, $0x11  }
0xbd: {  	s0 =	sor.u32 s1, s0  }
0xbe: {  	s0 =	sadd.s32 $0x8F2B, s0  }
0xbf: {  	[sflag:s0] =	ssyncadd.remote.s32 $0x1  }
0xc0: {  	_ =	sfence.sel $0xFFFF  }
0xc1: {  	[dreg:$0x0] =	wrdreg $0xFFFFFFFF;
	(pc) =	sbr.abs _section_cstart, $3  }
0xc2: {  	[dreg:$0x1] =	wrdreg $0xFFFFFFFF  }
0xc3: {  	_ =	task.clear_ibuf [dreg:s8], $0x2FFFF;
	_ =	strace $0x9FFFFFFF  }
0xc4: {  	(tm) =	ssettm $0x7FFFFFFF  }
0xc5: {  	_ =	shalt  }
tec
execute0_lowered:
.L_overlay_start_1:
0x0: {  	(tag) =	ssettag $0x1  }
0x1: {  	s0 =	rddreg [dreg:$0x0]  }
0x2: {  	s1 =	rddreg [dreg:$0x1]  }
0x3: {  	s2 =	rddreg [dreg:$0x2];
	s4 =	srdreg.scid;
	v0 =	vlaneseq.u32  }
0x4: {  	s3 =	simm.s32 $0x0;
	s5 =	stileid.u32;
	s9 =	simm.s32 $0xA;
	v0 =	vmul.u32 $0x80, v0  }
0x5: {  	s10 =	simm.s32 $0x400;
	s12 =	simm.s32 $0x7A1400;
	s13 =	simm.s32 $0x8100  }
0x6: {  	s20 =	simm.s32 $0x16100;
	s21 =	simm.s32 $0x9;
	s22 =	simm.s32 $0x1;
	v1 =	vor.u32 $0x800, v0  }
0x7: {  	s23 =	simm.s32 $0x2;
	s24 =	simm.s32 $0x3;
	s25 =	simm.s32 $0x4;
	v2 =	vor.u32 $0x1000, v0;
	v3 =	vor.u32 $0x1800, v0;
	v4 =	vor.u32 $0x2000, v0  }
0x8: {  	s26 =	simm.s32 $0x5;
	s28 =	simm.s32 $0x6;
	s29 =	simm.s32 $0x7;
	v5 =	vor.u32 $0x2800, v0;
	v6 =	vor.u32 $0x3000, v0;
	v7 =	vor.u32 $0x3800, v0  }
0x9: {  	s30 =	simm.s32 $0x8;
	s4 =	sand.u32 $0x1, s4;
	[smem:$0x7FF] =	sst s3;
	v8 =	vor.u32 $0x4000, v0;
	v9 =	vor.u32 $0x4800, v0;
	v10 =	vor.u32 $0x5000, v0  }
0xa: {  	s5 =	sshll.u32 s5, $0x9;
	s6 =	sshll.u32 s4, $0x8;
	s4 =	ssub.s32 $0x2, s4;
	v11 =	vor.u32 $0x5800, v0;
	v12 =	vor.u32 $0x6000, v0;
	v13 =	vor.u32 $0x6800, v0  }
0xb: {  	_ =	strace $0x80000047;
	s5 =	sor.u32 s6, s5;
	s7 =	sshrl.u32 s4, $0x1;
	v14 =	vor.u32 $0x7000, v0;
	v15 =	vor.u32 $0x7800, v0;
	v16 =	vor.u32 $0x8000, v0  }
.Ltmp0:
0xc: {  	v17 =	vor.u32 $0x8800, v0;
	v18 =	vor.u32 $0x9000, v0;
	v19 =	vor.u32 $0x9800, v0;
	s6 =	sshrl.u32 s5, $0x3;
	s5 =	sshll.u32 s5, $0x4;
	(pc) =	sbr.rel .LBB2_1-.Ltmp0, $4  }
0xd: {  	v20 =	vor.u32 $0xA000, v0;
	v21 =	vor.u32 $0xA800, v0;
	v22 =	vor.u32 $0xB000, v0;
	s8 =	ssub.s32 s4, s7;
	s4 =	simm.s32 $0x14100;
	s6 =	sadd.s32 s6, s0  }
0xe: {  	v23 =	vor.u32 $0xB800, v0;
	v24 =	vor.u32 $0xC000, v0;
	v25 =	vor.u32 $0xC800, v0;
	s0 =	sadd.s32 s5, s0;
	s5 =	sand.u32 $0x7000, s5;
	s8 =	smax.u32 s8, $0x1  }
0xf: {  	v26 =	vor.u32 $0xD000, v0;
	v27 =	vor.u32 $0xD800, v0;
	v28 =	vor.u32 $0xE000, v0;
	s31 =	sadd.s32 $0x400, s6;
	s5 =	sadd.s32 s2, s5;
	s6 =	sadd.s32 $0x800, s0  }
0x10: {  	v29 =	vor.u32 $0xE800, v0;
	v30 =	vor.u32 $0xF000, v0;
	v31 =	vor.u32 $0xF800, v0;
	s7 =	sadd.s32 $0x1000, s0;
	s0 =	simm.s32 $0x0;
	[dreg:$0x4] =	wrdreg s31  }
.LBB2_6:
0x11: {  	s0 =	sadd.s32 $0x1, s0  }
0x12: {  	p0 =	sne.s32 s0, s8  }
.Ltmp1:
0x13: {  	s2 =	simm.s32 $0x18100;
	(pc) =	sbr.rel @!p0 .LBB2_7-.Ltmp1, $4  }
0x14: {  	[hbm4b:s7+s3] =	stream.linear.scatter [tilespmem:s2], [sflag:$0xA], $0x4000, $0x38;
	[tilespmem:$0x1C100] =	vst v63  }
0x15: {  	_ =	swait.ge [sflag:s9], $0x4000  }
0x16: {  	[sflag:s9] =	ssyncset.done $0x0  }
0x17: {  	[sflag:s9] =	ssyncadd.s32 $0xFFFFC000  }
.LBB2_1:
0x18: {  	s2 =	rddreg [dreg:$0x4]  }
0x19: {  	[tilespmem:s3], [sflag:$0xA] =	stream.linear.gather [hbm4b:s2+s3], $0x100, $0x38;
	[tilespmem:$0x1C100] =	vst v63  }
0x1a: {  	_ =	swait.ge [sflag:s9], $0x100  }
0x1b: {  	[sflag:s9] =	ssyncset.done $0x0  }
0x1c: {  	s15 =	simm.s32 $0x100;
	[sflag:s9] =	ssyncadd.s32 $0xFFFFFF00  }
0x1d: {  	[tilespmem:s15], [sflag:$0x9] =	stream.linear.gather [hbm4b:s5+s3], $0x8000, $0x38;
	[tilespmem:$0x1C100] =	vst v63  }
0x1e: {  	v32 =	vld [tilespmem:$0x0];
	_ =	sdelay $0x4  }
0x1f: {  	(v2sf) =	vpush v32, $0x0  }
0x20: {  	(v2sf) =	vpush v32, $0x1;
	_ =	sdelay $0x2  }
0x21: {  	(v2sf) =	vpush v32, $0x2;
	_ =	sdelay $0x1  }
0x22: {  	(v2sf) =	vpush v32, $0x3;
	_ =	sdelay $0x2  }
0x23: {  	(v2sf) =	vpush v32, $0x4;
	_ =	sdelay $0x1  }
0x24: {  	(v2sf) =	vpush v32, $0x5;
	_ =	sdelay $0x2  }
0x25: {  	(v2sf) =	vpush v32, $0x6  }
0x26: {  	s2 =	spop (v2sf)  }
0x27: {  	s11 =	sand.u32 $0xFFFFF80, s2;
	s14 =	spop (v2sf)  }
0x28: {  	(v2sf) =	vpush v32, $0x7;
	s11 =	sadd.s32 s1, s11;
	s16 =	sand.u32 $0xFFFFF80, s14  }
0x29: {  	[tilespmem:s13], [sflag:$0x1] =	stream.strided.gather [hbm4b:s11+s10], $0x2000, s12, s10, $0x38;
	[tilespmem:$0x1C100] =	vst v63  }
0x2a: {  	s15 =	spop (v2sf);
	s11 =	sadd.s32 s1, s16;
	s16 =	simm.s32 $0xA100  }
0x2b: {  	[tilespmem:s16], [sflag:$0x2] =	stream.strided.gather [hbm4b:s11+s10], $0x2000, s12, s10, $0x38;
	[tilespmem:$0x1C100] =	vst v63  }
0x2c: {  	s17 =	sand.u32 $0xFFFFF80, s15;
	s16 =	spop (v2sf)  }
0x2d: {  	s11 =	sadd.s32 s1, s17;
	s17 =	simm.s32 $0xC100;
	s18 =	sand.u32 $0xFFFFF80, s16  }
0x2e: {  	[tilespmem:s17], [sflag:$0x3] =	stream.strided.gather [hbm4b:s11+s10], $0x2000, s12, s10, $0x38;
	[tilespmem:$0x1C100] =	vst v63  }
0x2f: {  	s17 =	spop (v2sf);
	s11 =	sadd.s32 s1, s18;
	s18 =	simm.s32 $0xE100  }
0x30: {  	[tilespmem:s18], [sflag:$0x4] =	stream.strided.gather [hbm4b:s11+s10], $0x2000, s12, s10, $0x38;
	[tilespmem:$0x1C100] =	vst v63  }
0x31: {  	s19 =	sand.u32 $0xFFFFF80, s17;
	s18 =	spop (v2sf)  }
0x32: {  	s11 =	sadd.s32 s1, s19;
	s19 =	simm.s32 $0x10100;
	s31 =	sand.u32 $0xFFFFF80, s18  }
0x33: {  	[tilespmem:s19], [sflag:$0x5] =	stream.strided.gather [hbm4b:s11+s10], $0x2000, s12, s10, $0x38;
	[tilespmem:$0x1C100] =	vst v63  }
0x34: {  	s19 =	spop (v2sf);
	s11 =	sadd.s32 s1, s31;
	s31 =	simm.s32 $0x12100  }
0x35: {  	[tilespmem:s31], [sflag:$0x6] =	stream.strided.gather [hbm4b:s11+s10], $0x2000, s12, s10, $0x38;
	[tilespmem:$0x1C100] =	vst v63  }
0x36: {  	s11 =	sand.u32 $0xFFFFF80, s19  }
0x37: {  	s31 =	spop (v2sf);
	s11 =	sadd.s32 s1, s11  }
0x38: {  	[tilespmem:s4], [sflag:$0x7] =	stream.strided.gather [hbm4b:s11+s10], $0x2000, s12, s10, $0x38;
	[tilespmem:$0x1C100] =	vst v63  }
0x39: {  	s11 =	sand.u32 $0xFFFFF80, s31  }
0x3a: {  	(v2sf) =	vpush v32, $0x8;
	s11 =	sadd.s32 s1, s11  }
0x3b: {  	(v2sf) =	vpush v32, $0x9;
	[tilespmem:s20], [sflag:$0x8] =	stream.strided.gather [hbm4b:s11+s10], $0x2000, s12, s10, $0x38;
	[tilespmem:$0x1C100] =	vst v63  }
0x3c: {  	(v2sf) =	vpush v32, $0xA;
	s11 =	simm.s32 $0x0  }
0x3d: {  	(v2sf) =	vpush v32, $0xB;
	v33 =	vld [tilespmem:s11+$0x10]  }
0x3e: {  	(v2sf) =	vpush v32, $0xC  }
0x3f: {  	(v2sf) =	vpush v32, $0xD  }
0x40: {  	(v2sf) =	vpush v32, $0xE  }
0x41: {  	(v2sf) =	vpush v32, $0xF  }
0x42: {  	[smem:$0x0] =	sst s2;
	(v2sf) =	vpush v33, $0x0  }
0x43: {  	[smem:$0x1] =	sst s14  }
0x44: {  	[smem:$0x2] =	sst s15;
	(v2sf) =	vpush v33, $0x1  }
0x45: {  	[smem:$0x3] =	sst s16;
	(v2sf) =	vpush v33, $0x2  }
0x46: {  	[smem:$0x4] =	sst s17;
	(v2sf) =	vpush v33, $0x3  }
0x47: {  	[smem:$0x5] =	sst s18;
	(v2sf) =	vpush v33, $0x4  }
0x48: {  	[smem:$0x6] =	sst s19;
	(v2sf) =	vpush v33, $0x5  }
0x49: {  	[smem:$0x7] =	sst s31;
	s18 =	spop (v2sf);
	(v2sf) =	vpush v33, $0x6  }
0x4a: {  	[smem:$0x8] =	sst s18;
	s19 =	spop (v2sf);
	(v2sf) =	vpush v33, $0x7  }
0x4b: {  	[smem:$0x9] =	sst s19;
	s31 =	spop (v2sf);
	(v2sf) =	vpush v33, $0x8  }
0x4c: {  	[smem:$0xA] =	sst s31;
	s14 =	spop (v2sf);
	(v2sf) =	vpush v33, $0x9  }
0x4d: {  	[smem:$0xB] =	sst s14;
	s15 =	spop (v2sf);
	(v2sf) =	vpush v33, $0xA  }
0x4e: {  	s2 =	simm.s32 $0x10;
	[smem:$0xC] =	sst s15;
	s16 =	spop (v2sf);
	(v2sf) =	vpush v33, $0xB  }
0x4f: {  	v32 =	vld [tilespmem:s2+$0x10];
	[smem:$0xD] =	sst s16;
	s17 =	spop (v2sf);
	(v2sf) =	vpush v33, $0xC  }
0x50: {  	[smem:$0xE] =	sst s17;
	s18 =	spop (v2sf);
	(v2sf) =	vpush v33, $0xD  }
0x51: {  	[smem:$0xF] =	sst s18;
	(v2sf) =	vpush v33, $0xE;
	s19 =	spop (v2sf)  }
0x52: {  	(v2sf) =	vpush v33, $0xF;
	[smem:$0x10] =	sst s19  }
0x53: {  	s14 =	spop (v2sf)  }
0x54: {  	(v2sf) =	vpush v32, $0x0;
	[smem:$0x11] =	sst s14  }
0x55: {  	s14 =	spop (v2sf)  }
0x56: {  	(v2sf) =	vpush v32, $0x1;
	[smem:$0x12] =	sst s14  }
0x57: {  	s14 =	spop (v2sf)  }
0x58: {  	(v2sf) =	vpush v32, $0x2;
	[smem:$0x13] =	sst s14  }
0x59: {  	s14 =	spop (v2sf)  }
0x5a: {  	(v2sf) =	vpush v32, $0x3;
	[smem:$0x14] =	sst s14  }
0x5b: {  	s14 =	spop (v2sf)  }
0x5c: {  	(v2sf) =	vpush v32, $0x4;
	[smem:$0x15] =	sst s14  }
0x5d: {  	s14 =	spop (v2sf)  }
0x5e: {  	(v2sf) =	vpush v32, $0x5;
	[smem:$0x16] =	sst s14  }
0x5f: {  	s14 =	spop (v2sf)  }
0x60: {  	(v2sf) =	vpush v32, $0x6;
	[smem:$0x17] =	sst s14  }
0x61: {  	s14 =	spop (v2sf)  }
0x62: {  	(v2sf) =	vpush v32, $0x7;
	[smem:$0x18] =	sst s14  }
0x63: {  	s14 =	spop (v2sf)  }
0x64: {  	(v2sf) =	vpush v32, $0x8;
	[smem:$0x19] =	sst s14  }
0x65: {  	s14 =	spop (v2sf)  }
0x66: {  	(v2sf) =	vpush v32, $0x9;
	[smem:$0x1A] =	sst s14  }
0x67: {  	s14 =	spop (v2sf)  }
0x68: {  	(v2sf) =	vpush v32, $0xA;
	[smem:$0x1B] =	sst s14  }
0x69: {  	s31 =	spop (v2sf)  }
0x6a: {  	(v2sf) =	vpush v32, $0xB;
	[smem:$0x1C] =	sst s31  }
0x6b: {  	s14 =	simm.s32 $0x20;
	s15 =	spop (v2sf)  }
0x6c: {  	v33 =	vld [tilespmem:s14+$0x10];
	(v2sf) =	vpush v32, $0xC;
	[smem:$0x1D] =	sst s15  }
0x6d: {  	s15 =	spop (v2sf)  }
0x6e: {  	(v2sf) =	vpush v32, $0xD;
	[smem:$0x1E] =	sst s15  }
0x6f: {  	s15 =	simm.s32 $0xC0;
	s16 =	spop (v2sf)  }
.LBB2_2:
0x70: {  	p0 =	sne.s32 s15, $0x380;
	[smem:s11+$0x1F] =	sst s16;
	s16 =	smov.u32 s15  }
0x71: {  	(v2sf) =	vpush v32, $0xE;
	s15 =	sadd.s32 $0x40, s15;
	s11 =	smov.u32 s2;
	s2 =	smov.u32 s14  }
0x72: {  	s14 =	spop (v2sf);
	(v2sf) =	vpush v32, $0xF  }
0x73: {  	[smem:s11+$0x10] =	sst s14;
	s14 =	spop (v2sf)  }
0x74: {  	(v2sf) =	vpush v33, $0x0;
	[smem:s11+$0x11] =	sst s14;
	s14 =	spop (v2sf);
	v32 =	vmov v33  }
0x75: {  	(v2sf) =	vpush v32, $0x1;
	[smem:s11+$0x12] =	sst s14;
	s14 =	spop (v2sf)  }
0x76: {  	(v2sf) =	vpush v32, $0x2;
	[smem:s11+$0x13] =	sst s14;
	s14 =	spop (v2sf)  }
0x77: {  	(v2sf) =	vpush v32, $0x3;
	[smem:s11+$0x14] =	sst s14;
	s14 =	spop (v2sf)  }
0x78: {  	(v2sf) =	vpush v32, $0x4;
	[smem:s11+$0x15] =	sst s14;
	s14 =	spop (v2sf)  }
0x79: {  	(v2sf) =	vpush v32, $0x5;
	[smem:s11+$0x16] =	sst s14;
	s14 =	spop (v2sf)  }
0x7a: {  	(v2sf) =	vpush v32, $0x6;
	[smem:s11+$0x17] =	sst s14;
	s14 =	spop (v2sf)  }
0x7b: {  	(v2sf) =	vpush v32, $0x7;
	[smem:s11+$0x18] =	sst s14;
	s14 =	spop (v2sf)  }
0x7c: {  	(v2sf) =	vpush v32, $0x8;
	[smem:s11+$0x19] =	sst s14;
	s14 =	spop (v2sf)  }
0x7d: {  	[smem:s11+$0x1A] =	sst s14  }
.Ltmp2:
0x7e: {  	(v2sf) =	vpush v32, $0x9;
	s14 =	spop (v2sf);
	(pc) =	sbr.rel @p0 .LBB2_2-.Ltmp2, $4  }
0x7f: {  	(v2sf) =	vpush v32, $0xA;
	[smem:s11+$0x1B] =	sst s14;
	s17 =	spop (v2sf)  }
0x80: {  	s14 =	sshra.s32 s16, $0x2;
	(v2sf) =	vpush v32, $0xB;
	[smem:s11+$0x1C] =	sst s17;
	s16 =	spop (v2sf)  }
0x81: {  	v33 =	vld [tilespmem:s14+$0x10];
	(v2sf) =	vpush v32, $0xC;
	[smem:s11+$0x1D] =	sst s16;
	s16 =	spop (v2sf)  }
0x82: {  	(v2sf) =	vpush v32, $0xD;
	[smem:s11+$0x1E] =	sst s16;
	s16 =	spop (v2sf)  }
0x83: {  	_ = 	snop  }
0x84: {  	(v2sf) =	vpush v32, $0xE  }
0x85: {  	[smem:s11+$0x1F] =	sst s16;
	s15 =	spop (v2sf);
	(v2sf) =	vpush v32, $0xF  }
0x86: {  	[smem:s2+$0x10] =	sst s15;
	s16 =	spop (v2sf);
	(v2sf) =	vpush v33, $0x0  }
0x87: {  	[smem:s2+$0x11] =	sst s16;
	s17 =	spop (v2sf);
	(v2sf) =	vpush v33, $0x1  }
0x88: {  	[smem:s2+$0x12] =	sst s17;
	s18 =	spop (v2sf);
	(v2sf) =	vpush v33, $0x2  }
0x89: {  	[smem:s2+$0x13] =	sst s18;
	s19 =	spop (v2sf);
	(v2sf) =	vpush v33, $0x3  }
0x8a: {  	[smem:s2+$0x14] =	sst s19;
	s31 =	spop (v2sf);
	(v2sf) =	vpush v33, $0x4  }
0x8b: {  	[smem:s2+$0x15] =	sst s31;
	s15 =	spop (v2sf);
	(v2sf) =	vpush v33, $0x5  }
0x8c: {  	[smem:s2+$0x16] =	sst s15;
	s16 =	spop (v2sf);
	(v2sf) =	vpush v33, $0x6  }
0x8d: {  	[smem:s2+$0x17] =	sst s16;
	s17 =	spop (v2sf);
	(v2sf) =	vpush v33, $0x7  }
0x8e: {  	[smem:s2+$0x18] =	sst s17;
	s18 =	spop (v2sf);
	(v2sf) =	vpush v33, $0x8  }
0x8f: {  	[smem:s2+$0x19] =	sst s18;
	s19 =	spop (v2sf);
	(v2sf) =	vpush v33, $0x9  }
0x90: {  	[smem:s2+$0x1A] =	sst s19;
	s31 =	spop (v2sf);
	(v2sf) =	vpush v33, $0xA  }
0x91: {  	[smem:s2+$0x1B] =	sst s31;
	s15 =	spop (v2sf);
	(v2sf) =	vpush v33, $0xB  }
0x92: {  	[smem:s2+$0x1C] =	sst s15;
	s16 =	spop (v2sf);
	(v2sf) =	vpush v33, $0xC  }
0x93: {  	[smem:s2+$0x1D] =	sst s16;
	s17 =	spop (v2sf);
	(v2sf) =	vpush v33, $0xD  }
0x94: {  	[smem:s2+$0x1E] =	sst s17;
	s18 =	spop (v2sf);
	(v2sf) =	vpush v33, $0xE  }
0x95: {  	[smem:s2+$0x1F] =	sst s18;
	s19 =	spop (v2sf);
	(v2sf) =	vpush v33, $0xF  }
0x96: {  	[smem:s14+$0x10] =	sst s19;
	s31 =	spop (v2sf)  }
0x97: {  	[smem:s14+$0x11] =	sst s31;
	s11 =	spop (v2sf)  }
0x98: {  	[smem:s14+$0x12] =	sst s11;
	s15 =	spop (v2sf)  }
0x99: {  	[smem:s14+$0x13] =	sst s15;
	s16 =	spop (v2sf)  }
0x9a: {  	[smem:s14+$0x14] =	sst s16;
	s17 =	spop (v2sf)  }
0x9b: {  	[smem:s14+$0x15] =	sst s17;
	s18 =	spop (v2sf)  }
0x9c: {  	[smem:s14+$0x16] =	sst s18;
	s19 =	spop (v2sf)  }
0x9d: {  	[smem:s14+$0x17] =	sst s19;
	s31 =	spop (v2sf)  }
0x9e: {  	[smem:s14+$0x18] =	sst s31;
	s11 =	spop (v2sf)  }
0x9f: {  	[smem:s14+$0x19] =	sst s11;
	s15 =	spop (v2sf)  }
0xa0: {  	[smem:s14+$0x1A] =	sst s15;
	s16 =	spop (v2sf)  }
0xa1: {  	[smem:s14+$0x1B] =	sst s16;
	s17 =	spop (v2sf)  }
0xa2: {  	[smem:s14+$0x1C] =	sst s17;
	s18 =	spop (v2sf)  }
0xa3: {  	[smem:s14+$0x1D] =	sst s18;
	s19 =	spop (v2sf)  }
0xa4: {  	[smem:s14+$0x1E] =	sst s19;
	s31 =	spop (v2sf)  }
0xa5: {  	[smem:s14+$0x1F] =	sst s31  }
0xa6: {  	_ =	swait.ge [sflag:s21], $0x8000  }
0xa7: {  	s2 =	simm.s32 $0x380;
	[sflag:s21] =	ssyncset.done $0x0  }
0xa8: {  	s11 =	simm.s32 $0x8;
	s14 =	simm.s32 $0x300;
	[sflag:s21] =	ssyncadd.s32 $0xFFFF8000  }
.LBB2_4:
0xa9: {  	s15 =	sld [smem:s11+$0xFFFFFFF8];
	_ =	sdelay $0x2  }
0xaa: {  	s15 =	sand.u32 $0x7F, s15  }
0xab: {  	v32 =	vor.u32 s15, v0  }
0xac: {  	_ =	swait.ge [sflag:s22], $0x2000  }
0xad: {  	[sflag:s22] =	ssyncset.done $0x0  }
0xae: {  	[sflag:s22] =	ssyncadd.s32 $0xFFFFE000  }
0xaf: {  	v33 =	vld [tilespmem:s14+$0xFFFFFE00]  }
0xb0: {  	v32 =	vld.idx.msk [tilespmem:v32+s13+$0x0], $0xffff;
	_ =	sdelay $0x2  }
0xb1: {  	v34 =	vor.u32 s15, v1;
	_ =	sdelay $0x1  }
0xb2: {  	s16 =	sadd.s32 $0xFFFFFC80, s2;
	v32 =	vadd.f32 v33, v32  }
0xb3: {  	s16 =	sand.u32 $0x3C00, s16  }
0xb4: {  	[tilespmem:s16+$0x18100] =	vst v32  }
0xb5: {  	v32 =	vld.idx.msk [tilespmem:v34+s13+$0x0], $0xffff  }
0xb6: {  	v59 =	vld [tilespmem:s14+$0xFFFFFE10];
	_ =	sdelay $0x2  }
0xb7: {  	v60 =	vor.u32 s15, v2;
	_ =	sdelay $0x1  }
0xb8: {  	v32 =	vadd.f32 v59, v32;
	_ =	sdelay $0x1  }
0xb9: {  	[tilespmem:s16+$0x18110] =	vst v32  }
0xba: {  	v32 =	vld.idx.msk [tilespmem:v60+s13+$0x0], $0xffff  }
0xbb: {  	v61 =	vld [tilespmem:s14+$0xFFFFFE20];
	_ =	sdelay $0x2  }
0xbc: {  	v62 =	vor.u32 s15, v3;
	_ =	sdelay $0x1  }
0xbd: {  	v32 =	vadd.f32 v61, v32;
	_ =	sdelay $0x1  }
0xbe: {  	[tilespmem:s16+$0x18120] =	vst v32  }
0xbf: {  	v32 =	vld.idx.msk [tilespmem:v62+s13+$0x0], $0xffff  }
0xc0: {  	v63 =	vld [tilespmem:s14+$0xFFFFFE30];
	_ =	sdelay $0x1  }
0xc1: {  	p0 =	seq.s32 s2, $0x7F80;
	s17 =	sld [smem:s11+$0xFFFFFFF9]  }
0xc2: {  	s15 =	sld @!p0 [smem:s11+$0x0];
	_ =	sdelay $0x1  }
0xc3: {  	v32 =	vadd.f32 v63, v32  }
0xc4: {  	s19 =	simm.s32 @!p0 $0x8100;
	s17 =	sand.u32 $0x7F, s17;
	s15 =	sand.u32 @!p0 $0xFFFFF80, s15  }
0xc5: {  	v36 =	vor.u32 s17, v4;
	s18 =	sadd.s32 @!p0 s1, s15;
	s15 =	simm.s32 @!p0 $0x400;
	[tilespmem:s16+$0x18130] =	vst v32;
	s16 =	simm.s32 @!p0 $0x7A1400  }
0xc6: {  	[tilespmem:s19], [sflag:$0x1] =	stream.strided.gather @!p0 [hbm4b:s18+s15], $0x2000, s16, s15, $0x38;
	[tilespmem:$0x1C100] =	vst v63  }
0xc7: {  	_ =	swait.ge [sflag:s23], $0x2000  }
0xc8: {  	[sflag:s23] =	ssyncset.done $0x0  }
0xc9: {  	[sflag:s23] =	ssyncadd.s32 $0xFFFFE000  }
0xca: {  	v32 =	vld.idx.msk [tilespmem:v36+s13+$0x0], $0xffff  }
0xcb: {  	v37 =	vld [tilespmem:s14+$0xFFFFFE80];
	_ =	sdelay $0x2  }
0xcc: {  	v38 =	vor.u32 s17, v5;
	_ =	sdelay $0x1  }
0xcd: {  	s19 =	sadd.s32 $0xFFFFFD00, s2;
	v32 =	vadd.f32 v37, v32  }
0xce: {  	s18 =	sand.u32 $0x3C80, s19  }
0xcf: {  	[tilespmem:s18+$0x18100] =	vst v32  }
0xd0: {  	v32 =	vld.idx.msk [tilespmem:v38+s13+$0x0], $0xffff  }
0xd1: {  	v39 =	vld [tilespmem:s14+$0xFFFFFE90];
	_ =	sdelay $0x2  }
0xd2: {  	v40 =	vor.u32 s17, v6;
	_ =	sdelay $0x1  }
0xd3: {  	v32 =	vadd.f32 v39, v32;
	_ =	sdelay $0x1  }
0xd4: {  	[tilespmem:s18+$0x18110] =	vst v32  }
0xd5: {  	v32 =	vld.idx.msk [tilespmem:v40+s13+$0x0], $0xffff  }
0xd6: {  	v41 =	vld [tilespmem:s14+$0xFFFFFEA0];
	_ =	sdelay $0x2  }
0xd7: {  	v42 =	vor.u32 s17, v7;
	_ =	sdelay $0x1  }
0xd8: {  	v32 =	vadd.f32 v41, v32;
	_ =	sdelay $0x1  }
0xd9: {  	[tilespmem:s18+$0x18120] =	vst v32  }
0xda: {  	v32 =	vld.idx.msk [tilespmem:v42+s13+$0x0], $0xffff  }
0xdb: {  	v43 =	vld [tilespmem:s14+$0xFFFFFEB0];
	_ =	sdelay $0x1  }
0xdc: {  	s17 =	sld @!p0 [smem:s11+$0x1]  }
0xdd: {  	s31 =	sld [smem:s11+$0xFFFFFFFA];
	_ =	sdelay $0x1  }
0xde: {  	v32 =	vadd.f32 v43, v32  }
0xdf: {  	s17 =	sand.u32 @!p0 $0xFFFFF80, s17;
	s19 =	sand.u32 $0x7F, s31  }
0xe0: {  	s17 =	sadd.s32 @!p0 s1, s17;
	v44 =	vor.u32 s19, v8;
	[tilespmem:s18+$0x18130] =	vst v32;
	s18 =	simm.s32 @!p0 $0xA100  }
0xe1: {  	[tilespmem:s18], [sflag:$0x2] =	stream.strided.gather @!p0 [hbm4b:s17+s15], $0x2000, s16, s15, $0x38;
	[tilespmem:$0x1C100] =	vst v63  }
0xe2: {  	_ =	swait.ge [sflag:s24], $0x2000  }
0xe3: {  	[sflag:s24] =	ssyncset.done $0x0  }
0xe4: {  	[sflag:s24] =	ssyncadd.s32 $0xFFFFE000  }
0xe5: {  	v32 =	vld.idx.msk [tilespmem:v44+s13+$0x0], $0xffff  }
0xe6: {  	v45 =	vld [tilespmem:s14+$0xFFFFFF00];
	_ =	sdelay $0x2  }
0xe7: {  	v46 =	vor.u32 s19, v9;
	_ =	sdelay $0x1  }
0xe8: {  	s18 =	sadd.s32 $0xFFFFFD80, s2;
	v32 =	vadd.f32 v45, v32  }
0xe9: {  	s17 =	sand.u32 $0x3D00, s18  }
0xea: {  	[tilespmem:s17+$0x18100] =	vst v32  }
0xeb: {  	v32 =	vld.idx.msk [tilespmem:v46+s13+$0x0], $0xffff  }
0xec: {  	v47 =	vld [tilespmem:s14+$0xFFFFFF10];
	_ =	sdelay $0x2  }
0xed: {  	v48 =	vor.u32 s19, v10;
	_ =	sdelay $0x1  }
0xee: {  	v32 =	vadd.f32 v47, v32;
	_ =	sdelay $0x1  }
0xef: {  	[tilespmem:s17+$0x18110] =	vst v32  }
0xf0: {  	v32 =	vld.idx.msk [tilespmem:v48+s13+$0x0], $0xffff  }
0xf1: {  	v49 =	vld [tilespmem:s14+$0xFFFFFF20];
	_ =	sdelay $0x2  }
0xf2: {  	v50 =	vor.u32 s19, v11;
	_ =	sdelay $0x1  }
0xf3: {  	v32 =	vadd.f32 v49, v32;
	_ =	sdelay $0x1  }
0xf4: {  	[tilespmem:s17+$0x18120] =	vst v32  }
0xf5: {  	v32 =	vld.idx.msk [tilespmem:v50+s13+$0x0], $0xffff  }
0xf6: {  	v51 =	vld [tilespmem:s14+$0xFFFFFF30];
	_ =	sdelay $0x1  }
0xf7: {  	s18 =	sld @!p0 [smem:s11+$0x2]  }
0xf8: {  	s31 =	sld [smem:s11+$0xFFFFFFFB];
	_ =	sdelay $0x1  }
0xf9: {  	v32 =	vadd.f32 v51, v32  }
0xfa: {  	s18 =	sand.u32 @!p0 $0xFFFFF80, s18;
	s19 =	sand.u32 $0x7F, s31  }
0xfb: {  	v52 =	vor.u32 s19, v12;
	[tilespmem:s17+$0x18130] =	vst v32;
	s17 =	sadd.s32 @!p0 s1, s18;
	s18 =	simm.s32 @!p0 $0xC100  }
0xfc: {  	[tilespmem:s18], [sflag:$0x3] =	stream.strided.gather @!p0 [hbm4b:s17+s15], $0x2000, s16, s15, $0x38;
	[tilespmem:$0x1C100] =	vst v63  }
0xfd: {  	_ =	swait.ge [sflag:s25], $0x2000  }
0xfe: {  	[sflag:s25] =	ssyncset.done $0x0  }
0xff: {  	[sflag:s25] =	ssyncadd.s32 $0xFFFFE000  }
0x100: {  	v32 =	vld.idx.msk [tilespmem:v52+s13+$0x0], $0xffff  }
0x101: {  	v53 =	vld [tilespmem:s14+$0xFFFFFF80];
	_ =	sdelay $0x2  }
0x102: {  	v54 =	vor.u32 s19, v13;
	_ =	sdelay $0x1  }
0x103: {  	s18 =	sadd.s32 $0xFFFFFE00, s2;
	v32 =	vadd.f32 v53, v32  }
0x104: {  	s17 =	sand.u32 $0x3D80, s18  }
0x105: {  	[tilespmem:s17+$0x18100] =	vst v32  }
0x106: {  	v32 =	vld.idx.msk [tilespmem:v54+s13+$0x0], $0xffff  }
0x107: {  	v55 =	vld [tilespmem:s14+$0xFFFFFF90];
	_ =	sdelay $0x2  }
0x108: {  	v56 =	vor.u32 s19, v14;
	_ =	sdelay $0x1  }
0x109: {  	v32 =	vadd.f32 v55, v32;
	_ =	sdelay $0x1  }
0x10a: {  	[tilespmem:s17+$0x18110] =	vst v32  }
0x10b: {  	v32 =	vld.idx.msk [tilespmem:v56+s13+$0x0], $0xffff  }
0x10c: {  	v57 =	vld [tilespmem:s14+$0xFFFFFFA0];
	_ =	sdelay $0x2  }
0x10d: {  	v58 =	vor.u32 s19, v15;
	_ =	sdelay $0x1  }
0x10e: {  	v32 =	vadd.f32 v57, v32;
	_ =	sdelay $0x1  }
0x10f: {  	[tilespmem:s17+$0x18120] =	vst v32  }
0x110: {  	v32 =	vld.idx.msk [tilespmem:v58+s13+$0x0], $0xffff  }
0x111: {  	v59 =	vld [tilespmem:s14+$0xFFFFFFB0];
	_ =	sdelay $0x1  }
0x112: {  	s18 =	sld @!p0 [smem:s11+$0x3]  }
0x113: {  	s31 =	sld [smem:s11+$0xFFFFFFFC];
	_ =	sdelay $0x1  }
0x114: {  	v32 =	vadd.f32 v59, v32  }
0x115: {  	s18 =	sand.u32 @!p0 $0xFFFFF80, s18;
	s19 =	sand.u32 $0x7F, s31  }
0x116: {  	v60 =	vor.u32 s19, v16;
	[tilespmem:s17+$0x18130] =	vst v32;
	s17 =	sadd.s32 @!p0 s1, s18;
	s18 =	simm.s32 @!p0 $0xE100  }
0x117: {  	[tilespmem:s18], [sflag:$0x4] =	stream.strided.gather @!p0 [hbm4b:s17+s15], $0x2000, s16, s15, $0x38;
	[tilespmem:$0x1C100] =	vst v63  }
0x118: {  	_ =	swait.ge [sflag:s26], $0x2000  }
0x119: {  	[sflag:s26] =	ssyncset.done $0x0  }
0x11a: {  	[sflag:s26] =	ssyncadd.s32 $0xFFFFE000  }
0x11b: {  	v32 =	vld.idx.msk [tilespmem:v60+s13+$0x0], $0xffff  }
0x11c: {  	v61 =	vld [tilespmem:s14+$0x0];
	_ =	sdelay $0x2  }
0x11d: {  	v62 =	vor.u32 s19, v17;
	_ =	sdelay $0x1  }
0x11e: {  	s18 =	sadd.s32 $0xFFFFFE80, s2;
	v32 =	vadd.f32 v61, v32  }
0x11f: {  	s17 =	sand.u32 $0x3E00, s18  }
0x120: {  	[tilespmem:s17+$0x18100] =	vst v32  }
0x121: {  	v32 =	vld.idx.msk [tilespmem:v62+s13+$0x0], $0xffff  }
0x122: {  	v63 =	vld [tilespmem:s14+$0x10];
	_ =	sdelay $0x2  }
0x123: {  	v36 =	vor.u32 s19, v18;
	_ =	sdelay $0x1  }
0x124: {  	v32 =	vadd.f32 v63, v32;
	_ =	sdelay $0x1  }
0x125: {  	[tilespmem:s17+$0x18110] =	vst v32  }
0x126: {  	v32 =	vld.idx.msk [tilespmem:v36+s13+$0x0], $0xffff  }
0x127: {  	v37 =	vld [tilespmem:s14+$0x20];
	_ =	sdelay $0x2  }
0x128: {  	v38 =	vor.u32 s19, v19;
	_ =	sdelay $0x1  }
0x129: {  	v32 =	vadd.f32 v37, v32;
	_ =	sdelay $0x1  }
0x12a: {  	[tilespmem:s17+$0x18120] =	vst v32  }
0x12b: {  	v32 =	vld.idx.msk [tilespmem:v38+s13+$0x0], $0xffff  }
0x12c: {  	v39 =	vld [tilespmem:s14+$0x30];
	_ =	sdelay $0x1  }
0x12d: {  	s18 =	sld @!p0 [smem:s11+$0x4]  }
0x12e: {  	s31 =	sld [smem:s11+$0xFFFFFFFD];
	_ =	sdelay $0x1  }
0x12f: {  	v32 =	vadd.f32 v39, v32  }
0x130: {  	s18 =	sand.u32 @!p0 $0xFFFFF80, s18;
	s19 =	sand.u32 $0x7F, s31  }
0x131: {  	v40 =	vor.u32 s19, v20;
	[tilespmem:s17+$0x18130] =	vst v32;
	s17 =	sadd.s32 @!p0 s1, s18;
	s18 =	simm.s32 @!p0 $0x10100  }
0x132: {  	[tilespmem:s18], [sflag:$0x5] =	stream.strided.gather @!p0 [hbm4b:s17+s15], $0x2000, s16, s15, $0x38;
	[tilespmem:$0x1C100] =	vst v63  }
0x133: {  	_ =	swait.ge [sflag:s28], $0x2000  }
0x134: {  	[sflag:s28] =	ssyncset.done $0x0  }
0x135: {  	[sflag:s28] =	ssyncadd.s32 $0xFFFFE000  }
0x136: {  	v32 =	vld.idx.msk [tilespmem:v40+s13+$0x0], $0xffff  }
0x137: {  	v41 =	vld [tilespmem:s14+$0x80];
	_ =	sdelay $0x2  }
0x138: {  	v42 =	vor.u32 s19, v21;
	_ =	sdelay $0x1  }
0x139: {  	s18 =	sadd.s32 $0xFFFFFF00, s2;
	v32 =	vadd.f32 v41, v32  }
0x13a: {  	s17 =	sand.u32 $0x3E80, s18  }
0x13b: {  	[tilespmem:s17+$0x18100] =	vst v32  }
0x13c: {  	v32 =	vld.idx.msk [tilespmem:v42+s13+$0x0], $0xffff  }
0x13d: {  	v43 =	vld [tilespmem:s14+$0x90];
	_ =	sdelay $0x2  }
0x13e: {  	v44 =	vor.u32 s19, v22;
	_ =	sdelay $0x1  }
0x13f: {  	v32 =	vadd.f32 v43, v32;
	_ =	sdelay $0x1  }
0x140: {  	[tilespmem:s17+$0x18110] =	vst v32  }
0x141: {  	v32 =	vld.idx.msk [tilespmem:v44+s13+$0x0], $0xffff  }
0x142: {  	v45 =	vld [tilespmem:s14+$0xA0];
	_ =	sdelay $0x2  }
0x143: {  	v46 =	vor.u32 s19, v23;
	_ =	sdelay $0x1  }
0x144: {  	v32 =	vadd.f32 v45, v32;
	_ =	sdelay $0x1  }
0x145: {  	[tilespmem:s17+$0x18120] =	vst v32  }
0x146: {  	v32 =	vld.idx.msk [tilespmem:v46+s13+$0x0], $0xffff  }
0x147: {  	v47 =	vld [tilespmem:s14+$0xB0];
	_ =	sdelay $0x1  }
0x148: {  	s18 =	sld @!p0 [smem:s11+$0x5]  }
0x149: {  	s31 =	sld [smem:s11+$0xFFFFFFFE];
	_ =	sdelay $0x1  }
0x14a: {  	v32 =	vadd.f32 v47, v32  }
0x14b: {  	s18 =	sand.u32 @!p0 $0xFFFFF80, s18;
	s19 =	sand.u32 $0x7F, s31  }
0x14c: {  	v48 =	vor.u32 s19, v24;
	[tilespmem:s17+$0x18130] =	vst v32;
	s17 =	sadd.s32 @!p0 s1, s18;
	s18 =	simm.s32 @!p0 $0x12100  }
0x14d: {  	[tilespmem:s18], [sflag:$0x6] =	stream.strided.gather @!p0 [hbm4b:s17+s15], $0x2000, s16, s15, $0x38;
	[tilespmem:$0x1C100] =	vst v63  }
0x14e: {  	_ =	swait.ge [sflag:s29], $0x2000  }
0x14f: {  	[sflag:s29] =	ssyncset.done $0x0  }
0x150: {  	[sflag:s29] =	ssyncadd.s32 $0xFFFFE000  }
0x151: {  	v32 =	vld.idx.msk [tilespmem:v48+s13+$0x0], $0xffff  }
0x152: {  	v49 =	vld [tilespmem:s14+$0x100];
	_ =	sdelay $0x2  }
0x153: {  	v50 =	vor.u32 s19, v25;
	_ =	sdelay $0x1  }
0x154: {  	s18 =	sadd.s32 $0xFFFFFF80, s2;
	v32 =	vadd.f32 v49, v32  }
0x155: {  	s17 =	sand.u32 $0x3F00, s18  }
0x156: {  	[tilespmem:s17+$0x18100] =	vst v32  }
0x157: {  	v32 =	vld.idx.msk [tilespmem:v50+s13+$0x0], $0xffff  }
0x158: {  	v51 =	vld [tilespmem:s14+$0x110];
	_ =	sdelay $0x2  }
0x159: {  	v52 =	vor.u32 s19, v26;
	_ =	sdelay $0x1  }
0x15a: {  	v32 =	vadd.f32 v51, v32;
	_ =	sdelay $0x1  }
0x15b: {  	[tilespmem:s17+$0x18110] =	vst v32  }
0x15c: {  	v32 =	vld.idx.msk [tilespmem:v52+s13+$0x0], $0xffff  }
0x15d: {  	v53 =	vld [tilespmem:s14+$0x120];
	_ =	sdelay $0x2  }
0x15e: {  	v54 =	vor.u32 s19, v27;
	_ =	sdelay $0x1  }
0x15f: {  	v32 =	vadd.f32 v53, v32;
	_ =	sdelay $0x1  }
0x160: {  	[tilespmem:s17+$0x18120] =	vst v32  }
0x161: {  	v32 =	vld.idx.msk [tilespmem:v54+s13+$0x0], $0xffff  }
0x162: {  	v55 =	vld [tilespmem:s14+$0x130];
	_ =	sdelay $0x1  }
0x163: {  	s18 =	sld @!p0 [smem:s11+$0x6]  }
0x164: {  	s31 =	sld [smem:s11+$0xFFFFFFFF];
	_ =	sdelay $0x1  }
0x165: {  	v32 =	vadd.f32 v55, v32  }
0x166: {  	s18 =	sand.u32 @!p0 $0xFFFFF80, s18;
	s19 =	sand.u32 $0x7F, s31  }
0x167: {  	v56 =	vor.u32 s19, v28;
	[tilespmem:s17+$0x18130] =	vst v32;
	s17 =	sadd.s32 @!p0 s1, s18;
	s18 =	simm.s32 @!p0 $0x14100  }
0x168: {  	[tilespmem:s18], [sflag:$0x7] =	stream.strided.gather @!p0 [hbm4b:s17+s15], $0x2000, s16, s15, $0x38;
	[tilespmem:$0x1C100] =	vst v63  }
0x169: {  	_ =	swait.ge [sflag:s30], $0x2000  }
0x16a: {  	[sflag:s30] =	ssyncset.done $0x0  }
0x16b: {  	[sflag:s30] =	ssyncadd.s32 $0xFFFFE000  }
0x16c: {  	v32 =	vld.idx.msk [tilespmem:v56+s13+$0x0], $0xffff  }
0x16d: {  	v57 =	vld [tilespmem:s14+$0x180];
	_ =	sdelay $0x2  }
0x16e: {  	v58 =	vor.u32 s19, v29;
	_ =	sdelay $0x1  }
0x16f: {  	v32 =	vadd.f32 v57, v32  }
0x170: {  	s31 =	sand.u32 $0x3F80, s2  }
0x171: {  	[tilespmem:s31+$0x18100] =	vst v32  }
0x172: {  	v32 =	vld.idx.msk [tilespmem:v58+s13+$0x0], $0xffff  }
0x173: {  	v59 =	vld [tilespmem:s14+$0x190];
	_ =	sdelay $0x2  }
0x174: {  	v60 =	vor.u32 s19, v30;
	_ =	sdelay $0x1  }
0x175: {  	v32 =	vadd.f32 v59, v32;
	_ =	sdelay $0x1  }
0x176: {  	[tilespmem:s31+$0x18110] =	vst v32  }
0x177: {  	v32 =	vld.idx.msk [tilespmem:v60+s13+$0x0], $0xffff  }
0x178: {  	v61 =	vld [tilespmem:s14+$0x1A0];
	_ =	sdelay $0x2  }
0x179: {  	v62 =	vor.u32 s19, v31;
	_ =	sdelay $0x1  }
0x17a: {  	v32 =	vadd.f32 v61, v32;
	_ =	sdelay $0x1  }
0x17b: {  	[tilespmem:s31+$0x18120] =	vst v32  }
0x17c: {  	v32 =	vld.idx.msk [tilespmem:v62+s13+$0x0], $0xffff  }
0x17d: {  	v63 =	vld [tilespmem:s14+$0x1B0];
	_ =	sdelay $0x2  }
.Ltmp3:
0x17e: {  	_ = 	snop;
	(pc) =	sbr.rel @p0 .LBB2_6-.Ltmp3, $3  }
0x17f: {  	_ = 	snop  }
0x180: {  	v32 =	vadd.f32 v63, v32;
	_ =	sdelay $0x1  }
0x181: {  	[tilespmem:s31+$0x18130] =	vst v32  }
0x182: {  	s15 =	sld [smem:s11+$0x7];
	_ =	sdelay $0x2  }
0x183: {  	s15 =	sand.u32 $0xFFFFF80, s15  }
0x184: {  	p0 =	sne.s32 s2, $0x3F80;
	s15 =	sadd.s32 s1, s15  }
0x185: {  	[tilespmem:s20], [sflag:$0x8] =	stream.strided.gather [hbm4b:s15+s10], $0x2000, s12, s10, $0x38;
	[tilespmem:$0x1C100] =	vst v63  }
0x186: {  	s16 =	simm.s32 @!p0 $0x18100;
	s15 =	simm.s32 @!p0 $0x0  }
0x187: {  	[hbm4b:s6+s15] =	stream.linear.scatter @!p0 [tilespmem:s16], [sflag:$0xA], $0x4000, $0x38;
	[tilespmem:$0x1C100] =	vst v63  }
.Ltmp4:
0x188: {  	_ = 	snop;
	(pc) =	sbr.rel .LBB2_4-.Ltmp4, $4  }
0x189: {  	s15 =	simm.s32 @!p0 $0xA  }
0x18a: {  	_ =	swait.ge @!p0 [sflag:s15], $0x4000  }
0x18b: {  	s2 =	sadd.s32 $0x400, s2;
	[sflag:s15] =	ssyncset.done @!p0 $0x0  }
0x18c: {  	s11 =	sadd.s32 $0x8, s11;
	s14 =	sadd.s32 $0x400, s14;
	[sflag:s15] =	ssyncadd.s32 @!p0 $0xFFFFC000  }
.LBB2_7:
0x18d: {  	_ =	sfence.sel $0x180000  }
0x18e: {  	[bflag:$0x0] =	sbarrier.arrive $0xFFFF  }
0x18f: {  	_ =	strace $0x90000047  }
0x190: {  	s0 =	stileid.u32;
	[bflag:$0x2] =	sbarrier.arrive $0xFFFF  }
0x191: {  	p0 =	sne.s32 s0, $0x0;
	s0 =	rddreg [dreg:$0x3]  }
0x192: {  	s0 =	sadd.s32 @!p0 $0x100000, s0  }
0x193: {  	[sflag:s0] =	ssyncadd.tile.s32 @!p0 $0x1;
	_ =	shalt  }
.Lfunc_end2:
_tile_overlayer_lowered:
.L_overlay_start_2:
0x194: {  	(tag) =	ssettag $0x2  }
0x195: {  	s0 =	rddreg [dreg:$0x0];
	s2 =	stileid.u32  }
0x196: {  	s1 =	rddreg [dreg:$0x1];
	p0 =	sne.s32 s2, $0x0  }
0x197: {  	s3 =	rddreg [dreg:$0x2];
	[bflag:$0x3] =	sbarrier.arrive $0xFFFF;
	s2 =	simm.s32 @!p0 $0x1C0A  }
0x198: {  	[timem:s3], [sflag:s2] =	dma.local @!p0 [hbm:s0], s1  }
0x199: {  	s0 =	simm.s32 @!p0 $0xA  }
0x19a: {  	_ =	swait.ge @!p0 [sflag:s0], s1  }
0x19b: {  	s1 =	ssub.s32 @!p0 $0x0, s1;
	[sflag:s0] =	ssyncset.done @!p0 $0x0  }
0x19c: {  	[sflag:s0] =	ssyncadd.s32 @!p0 s1  }
0x19d: {  	[bflag:$0x3] =	sbarrier.arrive $0xFFFF  }
0x19e: {  	_ =	shalt  }

</sc_bundles>
